<compile_context>
chip_gen: v7x
topology: tpu7x:2x2x1
jax: 0.10.2.dev20260603
libtpu: 0.0.44.dev20260713+nightly
codegen_flags: <defaults>
</compile_context>

<pallas_src>
import functools

import jax
import jax.numpy as jnp
from jax import lax
from jax.experimental import pallas as pl
from jax.experimental.pallas import tpu as pltpu
from jax.experimental.pallas import tpu_sc as plsc

_NI = 2
_NO = 4
_SLAB = 8


@functools.cache
def _make_gather(batch, seq, V, D):
    info = plsc.get_sparse_core_info()
    L = info.num_lanes
    num_workers = info.num_cores * info.num_subcores
    n_rounds = D // num_workers
    unroll = 16
    irows = batch // 128
    n_slabs = seq // _SLAB
    slab_irows = _SLAB * irows
    blocks_per_slab = _SLAB // (_NI * _NO)
    assert n_rounds * num_workers == D
    assert batch % (L * unroll) == 0
    assert n_slabs * _SLAB == seq and blocks_per_slab * _NI * _NO == _SLAB

    mesh = plsc.VectorSubcoreMesh(core_axis_name="c", subcore_axis_name="s")

    @functools.partial(
        pl.kernel,
        mesh=mesh,
        out_type=jax.ShapeDtypeStruct((seq, D, batch), jnp.float32),
        scratch_types=[
            pltpu.VMEM((1, V), jnp.float32),
            *[pltpu.VMEM((irows, 128), jnp.int32) for _ in range(_NI)],
            *[pltpu.VMEM((1, batch), jnp.float32) for _ in range(_NO)],
            pltpu.VMEM_SHARED((2, slab_irows, 128), jnp.int32),
            *[pltpu.SemaphoreType.DMA for _ in range(_NI + _NO + 1)],
        ],
        compiler_params=pltpu.CompilerParams(
            use_tc_tiling_on_sc=True, needs_layout_passes=False
        ),
    )
    def gather_kernel(idx_hbm, table_hbm, out_hbm, trow, *bufs):
        ibuf = bufs[:_NI]
        obuf = bufs[_NI : _NI + _NO]
        sbuf = bufs[_NI + _NO]
        isem = bufs[_NI + _NO + 1 : 2 * _NI + _NO + 1]
        osem = bufs[2 * _NI + _NO + 1 : 2 * _NI + 2 * _NO + 1]
        psem = bufs[2 * _NI + 2 * _NO + 1]
        cid = lax.axis_index("c")
        sid = lax.axis_index("s")
        wid = sid * info.num_cores + cid
        producer = sid == 0
        z16 = jnp.zeros((L,), jnp.int32)

        def slab_load(k):
            pltpu.async_copy(
                idx_hbm.at[pl.ds(k * slab_irows, slab_irows)],
                sbuf.at[lax.rem(k, 2)],
                psem,
            )

        def slab_wait():
            pltpu.make_async_copy(
                idx_hbm.at[pl.ds(0, slab_irows)], sbuf.at[0], psem
            ).wait()

        def idx_load(p, k, w):
            pltpu.async_copy(
                sbuf.at[lax.rem(k, 2), pl.ds(w * irows, irows)], ibuf[p], isem[p]
            )

        def idx_wait(p):
            pltpu.make_async_copy(
                sbuf.at[0, pl.ds(0, irows)], ibuf[p], isem[p]
            ).wait()

        def out_store(p, s, d):
            pltpu.async_copy(obuf[p], out_hbm.at[s, pl.ds(d, 1)], osem[p])

        def out_wait(p):
            pltpu.make_async_copy(obuf[p], out_hbm.at[0, pl.ds(0, 1)], osem[p]).wait()

        def run_round(r, carry):
            d = r * num_workers + wid
            pltpu.sync_copy(table_hbm.at[pl.ds(d, 1)], trow)

            @pl.when(producer)
            def _():
                slab_load(0)

            def do_row(ip, op, k, w, first_use):
                idx_wait(ip)

                @pl.when(jnp.logical_not(first_use))
                def _():
                    out_wait(op)

                @plsc.parallel_loop(0, batch, L, unroll=unroll)
                def _inner(off):
                    v = ibuf[ip][off // 128, pl.ds(lax.rem(off, 128), L)]
                    obuf[op][0, pl.ds(off, L)] = plsc.load_gather(trow, [z16, v])

                out_store(op, k * _SLAB + w, d)

                @pl.when(w + _NI < _SLAB)
                def _():
                    idx_load(ip, k, w + _NI)

            def slab_loop(k, c):
                @pl.when(producer)
                def _():
                    slab_wait()

                plsc.subcore_barrier()

                @pl.when(jnp.logical_and(producer, k + 1 < n_slabs))
                def _():
                    slab_load(k + 1)

                for p in range(_NI):
                    idx_load(p, k, p)

                def blk(g, c2):
                    for j in range(_NI * _NO):
                        w = g * _NI * _NO + j
                        if j < _NO:
                            first = jnp.logical_and(k == 0, g == 0)
                        else:
                            first = jnp.bool_(False)
                        do_row(j % _NI, j % _NO, k, w, first)
                    return c2

                lax.fori_loop(0, blocks_per_slab, blk, 0)
                return c

            lax.fori_loop(0, n_slabs, slab_loop, 0)
            for p in range(_NO):
                out_wait(p)
            plsc.subcore_barrier()
            return carry

        lax.fori_loop(0, n_rounds, run_round, 0)

    return gather_kernel


def kernel(card_indices, table):
    batch, seq = card_indices.shape
    vocab, dim = table.shape
    idx2 = card_indices.astype(jnp.int32).T.reshape(-1, 128)
    table_t = table.T
    gather = _make_gather(batch, seq, vocab, dim)
    out_t = gather(idx2, table_t)
    return jnp.transpose(out_t, (2, 0, 1))

# --- scband reference (transcript-rebuilt; emitter-appended) ---
"""Pipeline reference for scband-card-embedding-3848290697445 (READ-ONLY COPY).

The authoritative reference and input builder live on the scoring server;
editing this copy changes nothing except your own understanding.
"""

import jax, jax.numpy as jnp
import numpy as np

NUM_CARDS = 100000
EMBED_DIM = 64
BATCH = 4096
SEQ_LEN = 200
PADDING_IDX = 0


def setup_inputs(seed: int = 0) -> dict:
    key = jax.random.key(seed)
    k_idx, k_tab = jax.random.split(key)
    card_indices = jax.random.randint(k_idx, (BATCH, SEQ_LEN), 0, NUM_CARDS, dtype=jnp.int64 if jax.config.jax_enable_x64 else jnp.int32)
    # Xavier-uniform initialized embedding table (matches nn.init.xavier_uniform_ scale roughly)
    limit = float(np.sqrt(6.0 / (NUM_CARDS + EMBED_DIM)))
    table = jax.random.uniform(k_tab, (NUM_CARDS, EMBED_DIM), minval=-limit, maxval=limit, dtype=jnp.float32)
    # nn.Embedding with padding_idx zeros the padding row at init
    table = table.at[PADDING_IDX].set(0.0)
    return {"card_indices": card_indices, "table": table}


def reference(card_indices, table):
    # CardEmbedding.forward: self.embedding(card_indices) -> (B, L, D) gather
    return jnp.take(table, card_indices, axis=0)

if __name__ == "__main__":
    import jax
    _d = setup_inputs()
    print(jax.jit(kernel)(*tuple(_d.values())))

</pallas_src>

<mosaic_0001>
#map = affine_map<(d0, d1) -> (0, 0)>
#map1 = affine_map<(d0, d1) -> (0, 0, 0)>
module attributes {stable_mosaic.version = 14 : i64} {
  func.func @gather_kernel(%arg0: i32, %arg1: i32, %arg2: memref<6400x128xi32, #tpu.memory_space<hbm>>, %arg3: memref<64x100000xf32, #tpu.memory_space<hbm>>, %arg4: memref<200x64x4096xf32, #tpu.memory_space<hbm>>, %arg5: memref<1x100000xf32, #tpu.memory_space<vmem>>, %arg6: memref<32x128xi32, #tpu.memory_space<vmem>>, %arg7: memref<32x128xi32, #tpu.memory_space<vmem>>, %arg8: memref<1x4096xf32, #tpu.memory_space<vmem>>, %arg9: memref<1x4096xf32, #tpu.memory_space<vmem>>, %arg10: memref<1x4096xf32, #tpu.memory_space<vmem>>, %arg11: memref<1x4096xf32, #tpu.memory_space<vmem>>, %arg12: memref<2x256x128xi32, #tpu.memory_space<vmem_shared>>, %arg13: memref<!tpu.dma_semaphore, #tpu.memory_space<semaphore_mem>>, %arg14: memref<!tpu.dma_semaphore, #tpu.memory_space<semaphore_mem>>, %arg15: memref<!tpu.dma_semaphore, #tpu.memory_space<semaphore_mem>>, %arg16: memref<!tpu.dma_semaphore, #tpu.memory_space<semaphore_mem>>, %arg17: memref<!tpu.dma_semaphore, #tpu.memory_space<semaphore_mem>>, %arg18: memref<!tpu.dma_semaphore, #tpu.memory_space<semaphore_mem>>, %arg19: memref<!tpu.dma_semaphore, #tpu.memory_space<semaphore_mem>>) attributes {dimension_semantics = [#tpu.dimension_semantics<core_parallel>, #tpu.dimension_semantics<subcore_parallel>], iteration_bounds = array<i64: 2, 16>, scalar_prefetch = 0 : i64, scratch_operands = 15 : i64, tpu.core_type = #tpu.core_type<sc_vector_subcore>, window_params = [{transform_indices = #map}, {transform_indices = #map}, {transform_indices = #map1}]} {
    %mul3A = arith.constant 2 : i32
    %mul3A_0 = arith.muli %arg1, %mul3A : i32
    %add3A = arith.addi %mul3A_0, %arg0 : i32
    %eq3A = arith.constant 0 : i32
    %eq3A_1 = arith.cmpi eq, %arg1, %eq3A : i32
    %broadcast_in_dim3A = arith.constant 0 : i32
    %broadcast_in_dim3A_2 = vector.broadcast %broadcast_in_dim3A : i32 to vector<16xi32>
    %scan3A = arith.constant 0 : i32
    %scan3A_3 = arith.constant 0 : i32
    %scan3A_4 = arith.constant 2 : i32
    %scan3A_5 = arith.addi %scan3A_3, %scan3A_4 : i32
    %scan3A_6 = arith.constant 1 : i32
    scf.for %scan3A_8 = %scan3A_3 to %scan3A_5 step %scan3A_6  : i32 {
      %mul3A_9 = arith.constant 32 : i32
      %mul3A_10 = arith.muli %scan3A_8, %mul3A_9 : i32
      %add3A_11 = arith.addi %mul3A_10, %add3A : i32
      "tpu.region"() ({
        %run_scoped3A = tpu.sem_alloc : memref<!tpu.dma_semaphore, #tpu.memory_space<semaphore_mem>>
        %dma_start3A = arith.constant 0 : i32
        %dma_start3A_54 = tpu.memref_slice %arg3[%add3A_11, %dma_start3A] : memref<64x100000xf32, #tpu.memory_space<hbm>> -> memref<1x100000xf32, #tpu.memory_space<hbm>>
        %dma_start3A_55 = arith.constant 0 : i32
        %dma_start3A_56 = tpu.memref_slice %arg3[%add3A_11, %dma_start3A_55] : memref<64x100000xf32, #tpu.memory_space<hbm>> -> memref<1x100000xf32, #tpu.memory_space<hbm>>
        tpu.enqueue_dma source(%dma_start3A_56 : memref<1x100000xf32, #tpu.memory_space<hbm>>) target(%arg5 : memref<1x100000xf32, #tpu.memory_space<vmem>>) target_semaphore(%run_scoped3A : memref<!tpu.dma_semaphore, #tpu.memory_space<semaphore_mem>>)
        %dma_wait3A_57 = arith.constant 0 : i32
        %dma_wait3A_58 = tpu.memref_slice %arg3[%add3A_11, %dma_wait3A_57] : memref<64x100000xf32, #tpu.memory_space<hbm>> -> memref<1x100000xf32, #tpu.memory_space<hbm>>
        %dma_wait3A_59 = arith.constant 0 : i32
        %dma_wait3A_60 = tpu.memref_slice %arg3[%add3A_11, %dma_wait3A_59] : memref<64x100000xf32, #tpu.memory_space<hbm>> -> memref<1x100000xf32, #tpu.memory_space<hbm>>
        tpu.wait_dma2 semaphore(%run_scoped3A : memref<!tpu.dma_semaphore, #tpu.memory_space<semaphore_mem>>) src(%dma_wait3A_60 : memref<1x100000xf32, #tpu.memory_space<hbm>>) dst(%arg5 : memref<1x100000xf32, #tpu.memory_space<vmem>>)
        tpu.yield
      }) : () -> ()
      %convert_element_type3A = arith.extui %eq3A_1 : i1 to i32
      %cond3A = arith.constant 0 : i32
      %cond3A_12 = arith.cmpi ne, %convert_element_type3A, %cond3A : i32
      scf.if %cond3A_12 {
        %rem3A = arith.constant 0 : i32
        %rem3A_54 = arith.constant 2 : i32
        %rem3A_55 = arith.remsi %rem3A, %rem3A_54 : i32
        %dma_start3A = arith.constant 0 : i32
        %dma_start3A_56 = arith.constant 0 : i32
        %dma_start3A_57 = tpu.memref_slice %arg12[%rem3A_55, %dma_start3A, %dma_start3A_56] : memref<2x256x128xi32, #tpu.memory_space<vmem_shared>> -> memref<1x256x128xi32, #tpu.memory_space<vmem_shared>>
        %dma_start3A_58 = tpu.memref_squeeze %dma_start3A_57 : memref<1x256x128xi32, #tpu.memory_space<vmem_shared>> -> memref<256x128xi32, #tpu.memory_space<vmem_shared>>
        %dma_start3A_59 = arith.constant 0 : i32
        %dma_start3A_60 = arith.constant 0 : i32
        %dma_start3A_61 = tpu.memref_slice %arg2[%dma_start3A_59, %dma_start3A_60] : memref<6400x128xi32, #tpu.memory_space<hbm>> -> memref<256x128xi32, #tpu.memory_space<hbm>>
        tpu.enqueue_dma source(%dma_start3A_61 : memref<256x128xi32, #tpu.memory_space<hbm>>) target(%dma_start3A_58 : memref<256x128xi32, #tpu.memory_space<vmem_shared>>) target_semaphore(%arg19 : memref<!tpu.dma_semaphore, #tpu.memory_space<semaphore_mem>>)
      } else {
      }
      %scan3A_13 = arith.constant 0 : i32
      %scan3A_14 = arith.constant 0 : i32
      %scan3A_15 = arith.constant 25 : i32
      %scan3A_16 = arith.addi %scan3A_14, %scan3A_15 : i32
      %scan3A_17 = arith.constant 1 : i32
      scf.for %scan3A_54 = %scan3A_14 to %scan3A_16 step %scan3A_17  : i32 {
        %convert_element_type3A_55 = arith.extui %eq3A_1 : i1 to i32
        %cond3A_56 = arith.constant 0 : i32
        %cond3A_57 = arith.cmpi ne, %convert_element_type3A_55, %cond3A_56 : i32
        scf.if %cond3A_57 {
          %dma_wait3A_420 = arith.constant 0 : i32
          %dma_wait3A_421 = arith.constant 0 : i32
          %dma_wait3A_422 = arith.constant 0 : i32
          %dma_wait3A_423 = tpu.memref_slice %arg12[%dma_wait3A_420, %dma_wait3A_421, %dma_wait3A_422] : memref<2x256x128xi32, #tpu.memory_space<vmem_shared>> -> memref<1x256x128xi32, #tpu.memory_space<vmem_shared>>
          %dma_wait3A_424 = tpu.memref_squeeze %dma_wait3A_423 : memref<1x256x128xi32, #tpu.memory_space<vmem_shared>> -> memref<256x128xi32, #tpu.memory_space<vmem_shared>>
          %dma_wait3A_425 = arith.constant 0 : i32
          %dma_wait3A_426 = arith.constant 0 : i32
          %dma_wait3A_427 = tpu.memref_slice %arg2[%dma_wait3A_425, %dma_wait3A_426] : memref<6400x128xi32, #tpu.memory_space<hbm>> -> memref<256x128xi32, #tpu.memory_space<hbm>>
          tpu.wait_dma2 semaphore(%arg19 : memref<!tpu.dma_semaphore, #tpu.memory_space<semaphore_mem>>) src(%dma_wait3A_427 : memref<256x128xi32, #tpu.memory_space<hbm>>) dst(%dma_wait3A_424 : memref<256x128xi32, #tpu.memory_space<vmem_shared>>)
        } else {
        }
        %barrier3A_58 = arith.constant 0 : index
        tpu.barrier barrier_id(%barrier3A_58)
        %add3A_59 = arith.constant 1 : i32
        %add3A_60 = arith.addi %scan3A_54, %add3A_59 : i32
        %lt3A = arith.constant 25 : i32
        %lt3A_61 = arith.cmpi slt, %add3A_60, %lt3A : i32
        %and3A = arith.andi %eq3A_1, %lt3A_61 : i1
        %convert_element_type3A_62 = arith.extui %and3A : i1 to i32
        %cond3A_63 = arith.constant 0 : i32
        %cond3A_64 = arith.cmpi ne, %convert_element_type3A_62, %cond3A_63 : i32
        scf.if %cond3A_64 {
          %add3A_420 = arith.constant 1 : i32
          %add3A_421 = arith.addi %scan3A_54, %add3A_420 : i32
          %mul3A_422 = arith.constant 256 : i32
          %mul3A_423 = arith.muli %add3A_421, %mul3A_422 : i32
          %rem3A_424 = arith.constant 2 : i32
          %rem3A_425 = arith.remsi %add3A_421, %rem3A_424 : i32
          %dma_start3A_426 = arith.constant 0 : i32
          %dma_start3A_427 = arith.constant 0 : i32
          %dma_start3A_428 = tpu.memref_slice %arg12[%rem3A_425, %dma_start3A_426, %dma_start3A_427] : memref<2x256x128xi32, #tpu.memory_space<vmem_shared>> -> memref<1x256x128xi32, #tpu.memory_space<vmem_shared>>
          %dma_start3A_429 = tpu.memref_squeeze %dma_start3A_428 : memref<1x256x128xi32, #tpu.memory_space<vmem_shared>> -> memref<256x128xi32, #tpu.memory_space<vmem_shared>>
          %dma_start3A_430 = arith.constant 0 : i32
          %dma_start3A_431 = tpu.memref_slice %arg2[%mul3A_423, %dma_start3A_430] : memref<6400x128xi32, #tpu.memory_space<hbm>> -> memref<256x128xi32, #tpu.memory_space<hbm>>
          tpu.enqueue_dma source(%dma_start3A_431 : memref<256x128xi32, #tpu.memory_space<hbm>>) target(%dma_start3A_429 : memref<256x128xi32, #tpu.memory_space<vmem_shared>>) target_semaphore(%arg19 : memref<!tpu.dma_semaphore, #tpu.memory_space<semaphore_mem>>)
        } else {
        }
        %rem3A = arith.constant 2 : i32
        %rem3A_65 = arith.remsi %scan3A_54, %rem3A : i32
        %dma_start3A = arith.constant 0 : i32
        %dma_start3A_66 = arith.constant 0 : i32
        %dma_start3A_67 = tpu.memref_slice %arg12[%rem3A_65, %dma_start3A, %dma_start3A_66] : memref<2x256x128xi32, #tpu.memory_space<vmem_shared>> -> memref<1x32x128xi32, #tpu.memory_space<vmem_shared>>
        %dma_start3A_68 = tpu.memref_squeeze %dma_start3A_67 : memref<1x32x128xi32, #tpu.memory_space<vmem_shared>> -> memref<32x128xi32, #tpu.memory_space<vmem_shared>>
        %dma_start3A_69 = arith.constant 0 : i32
        %dma_start3A_70 = arith.constant 0 : i32
        %dma_start3A_71 = tpu.memref_slice %arg12[%rem3A_65, %dma_start3A_69, %dma_start3A_70] : memref<2x256x128xi32, #tpu.memory_space<vmem_shared>> -> memref<1x32x128xi32, #tpu.memory_space<vmem_shared>>
        %dma_start3A_72 = tpu.memref_squeeze %dma_start3A_71 : memref<1x32x128xi32, #tpu.memory_space<vmem_shared>> -> memref<32x128xi32, #tpu.memory_space<vmem_shared>>
        tpu.enqueue_dma source(%dma_start3A_72 : memref<32x128xi32, #tpu.memory_space<vmem_shared>>) target(%arg6 : memref<32x128xi32, #tpu.memory_space<vmem>>) target_semaphore(%arg13 : memref<!tpu.dma_semaphore, #tpu.memory_space<semaphore_mem>>)
        %rem3A_73 = arith.constant 2 : i32
        %rem3A_74 = arith.remsi %scan3A_54, %rem3A_73 : i32
        %dma_start3A_75 = arith.constant 32 : i32
        %dma_start3A_76 = arith.constant 0 : i32
        %dma_start3A_77 = tpu.memref_slice %arg12[%rem3A_74, %dma_start3A_75, %dma_start3A_76] : memref<2x256x128xi32, #tpu.memory_space<vmem_shared>> -> memref<1x32x128xi32, #tpu.memory_space<vmem_shared>>
        %dma_start3A_78 = tpu.memref_squeeze %dma_start3A_77 : memref<1x32x128xi32, #tpu.memory_space<vmem_shared>> -> memref<32x128xi32, #tpu.memory_space<vmem_shared>>
        %dma_start3A_79 = arith.constant 32 : i32
        %dma_start3A_80 = arith.constant 0 : i32
        %dma_start3A_81 = tpu.memref_slice %arg12[%rem3A_74, %dma_start3A_79, %dma_start3A_80] : memref<2x256x128xi32, #tpu.memory_space<vmem_shared>> -> memref<1x32x128xi32, #tpu.memory_space<vmem_shared>>
        %dma_start3A_82 = tpu.memref_squeeze %dma_start3A_81 : memref<1x32x128xi32, #tpu.memory_space<vmem_shared>> -> memref<32x128xi32, #tpu.memory_space<vmem_shared>>
        tpu.enqueue_dma source(%dma_start3A_82 : memref<32x128xi32, #tpu.memory_space<vmem_shared>>) target(%arg7 : memref<32x128xi32, #tpu.memory_space<vmem>>) target_semaphore(%arg14 : memref<!tpu.dma_semaphore, #tpu.memory_space<semaphore_mem>>)
        %scan3A_83 = arith.constant 0 : i32
        %scan3A_84 = arith.constant 0 : i32
        %mul3A_85 = arith.constant 2 : i32
        %mul3A_86 = arith.muli %scan3A_84, %mul3A_85 : i32
        %mul3A_87 = arith.constant 4 : i32
        %mul3A_88 = arith.muli %mul3A_86, %mul3A_87 : i32
        %add3A_89 = arith.constant 0 : i32
        %add3A_90 = arith.addi %mul3A_88, %add3A_89 : i32
        %eq3A_91 = arith.constant 0 : i32
        %eq3A_92 = arith.cmpi eq, %scan3A_54, %eq3A_91 : i32
        %eq3A_93 = arith.constant 0 : i32
        %eq3A_94 = arith.cmpi eq, %scan3A_84, %eq3A_93 : i32
        %and3A_95 = arith.andi %eq3A_92, %eq3A_94 : i1
        %dma_wait3A_96 = arith.constant 0 : i32
        %dma_wait3A_97 = arith.constant 0 : i32
        %dma_wait3A_98 = arith.constant 0 : i32
        %dma_wait3A_99 = tpu.memref_slice %arg12[%dma_wait3A_96, %dma_wait3A_97, %dma_wait3A_98] : memref<2x256x128xi32, #tpu.memory_space<vmem_shared>> -> memref<1x32x128xi32, #tpu.memory_space<vmem_shared>>
        %dma_wait3A_100 = tpu.memref_squeeze %dma_wait3A_99 : memref<1x32x128xi32, #tpu.memory_space<vmem_shared>> -> memref<32x128xi32, #tpu.memory_space<vmem_shared>>
        %dma_wait3A_101 = arith.constant 0 : i32
        %dma_wait3A_102 = arith.constant 0 : i32
        %dma_wait3A_103 = tpu.memref_slice %arg12[%dma_wait3A_96, %dma_wait3A_101, %dma_wait3A_102] : memref<2x256x128xi32, #tpu.memory_space<vmem_shared>> -> memref<1x32x128xi32, #tpu.memory_space<vmem_shared>>
        %dma_wait3A_104 = tpu.memref_squeeze %dma_wait3A_103 : memref<1x32x128xi32, #tpu.memory_space<vmem_shared>> -> memref<32x128xi32, #tpu.memory_space<vmem_shared>>
        tpu.wait_dma2 semaphore(%arg13 : memref<!tpu.dma_semaphore, #tpu.memory_space<semaphore_mem>>) src(%dma_wait3A_104 : memref<32x128xi32, #tpu.memory_space<vmem_shared>>) dst(%arg6 : memref<32x128xi32, #tpu.memory_space<vmem>>)
        %not3A = arith.constant true
        %not3A_105 = arith.xori %and3A_95, %not3A : i1
        %convert_element_type3A_106 = arith.extui %not3A_105 : i1 to i32
        %cond3A_107 = arith.constant 0 : i32
        %cond3A_108 = arith.cmpi ne, %convert_element_type3A_106, %cond3A_107 : i32
        scf.if %cond3A_108 {
          %dma_wait3A_420 = arith.constant 0 : i32
          %dma_wait3A_421 = arith.constant 0 : i32
          %dma_wait3A_422 = arith.constant 0 : i32
          %dma_wait3A_423 = tpu.memref_slice %arg4[%dma_wait3A_420, %dma_wait3A_421, %dma_wait3A_422] : memref<200x64x4096xf32, #tpu.memory_space<hbm>> -> memref<1x1x4096xf32, #tpu.memory_space<hbm>>
          %dma_wait3A_424 = tpu.memref_squeeze %dma_wait3A_423 : memref<1x1x4096xf32, #tpu.memory_space<hbm>> -> memref<1x4096xf32, #tpu.memory_space<hbm>>
          %dma_wait3A_425 = arith.constant 0 : i32
          %dma_wait3A_426 = arith.constant 0 : i32
          %dma_wait3A_427 = tpu.memref_slice %arg4[%dma_wait3A_420, %dma_wait3A_425, %dma_wait3A_426] : memref<200x64x4096xf32, #tpu.memory_space<hbm>> -> memref<1x1x4096xf32, #tpu.memory_space<hbm>>
          %dma_wait3A_428 = tpu.memref_squeeze %dma_wait3A_427 : memref<1x1x4096xf32, #tpu.memory_space<hbm>> -> memref<1x4096xf32, #tpu.memory_space<hbm>>
          tpu.wait_dma2 semaphore(%arg15 : memref<!tpu.dma_semaphore, #tpu.memory_space<semaphore_mem>>) src(%arg8 : memref<1x4096xf32, #tpu.memory_space<vmem>>) dst(%dma_wait3A_428 : memref<1x4096xf32, #tpu.memory_space<hbm>>)
        } else {
        }
        %parallel_loop3A = arith.constant 0 : i32
        %parallel_loop3A_109 = arith.constant 4096 : i32
        %parallel_loop3A_110 = arith.constant 16 : i32
        scf.for %parallel_loop3A_420 = %parallel_loop3A to %parallel_loop3A_109 step %parallel_loop3A_110  : i32 {
          %parallel_loop3A_421 = arith.constant 128 : i32
          %parallel_loop3A_422 = arith.divsi %parallel_loop3A_420, %parallel_loop3A_421 : i32
          %parallel_loop3A_423 = arith.constant 0 : i32
          %parallel_loop3A_424 = arith.cmpi sgt, %parallel_loop3A_420, %parallel_loop3A_423 : i32
          %parallel_loop3A_425 = arith.extui %parallel_loop3A_424 : i1 to i32
          %parallel_loop3A_426 = arith.constant 0 : i32
          %parallel_loop3A_427 = arith.cmpi slt, %parallel_loop3A_420, %parallel_loop3A_426 : i32
          %parallel_loop3A_428 = arith.extui %parallel_loop3A_427 : i1 to i32
          %parallel_loop3A_429 = arith.subi %parallel_loop3A_425, %parallel_loop3A_428 : i32
          %parallel_loop3A_430 = arith.constant 0 : i32
          %parallel_loop3A_431 = arith.cmpi sgt, %parallel_loop3A_421, %parallel_loop3A_430 : i32
          %parallel_loop3A_432 = arith.extui %parallel_loop3A_431 : i1 to i32
          %parallel_loop3A_433 = arith.constant 0 : i32
          %parallel_loop3A_434 = arith.cmpi slt, %parallel_loop3A_421, %parallel_loop3A_433 : i32
          %parallel_loop3A_435 = arith.extui %parallel_loop3A_434 : i1 to i32
          %parallel_loop3A_436 = arith.subi %parallel_loop3A_432, %parallel_loop3A_435 : i32
          %parallel_loop3A_437 = arith.cmpi ne, %parallel_loop3A_429, %parallel_loop3A_436 : i32
          %parallel_loop3A_438 = arith.remsi %parallel_loop3A_420, %parallel_loop3A_421 : i32
          %parallel_loop3A_439 = arith.constant 0 : i32
          %parallel_loop3A_440 = arith.cmpi ne, %parallel_loop3A_438, %parallel_loop3A_439 : i32
          %parallel_loop3A_441 = arith.andi %parallel_loop3A_437, %parallel_loop3A_440 : i1
          %parallel_loop3A_442 = arith.constant 1 : i32
          %parallel_loop3A_443 = arith.subi %parallel_loop3A_422, %parallel_loop3A_442 : i32
          %parallel_loop3A_444 = arith.select %parallel_loop3A_441, %parallel_loop3A_443, %parallel_loop3A_422 : i32
          %parallel_loop3A_445 = arith.constant 128 : i32
          %parallel_loop3A_446 = arith.remsi %parallel_loop3A_420, %parallel_loop3A_445 : i32
          %parallel_loop3A_447 = arith.index_cast %parallel_loop3A_444 : i32 to index
          %parallel_loop3A_448 = arith.index_cast %parallel_loop3A_446 : i32 to index
          %parallel_loop3A_449 = tpu.vector_load %arg6[%parallel_loop3A_447, %parallel_loop3A_448] {strides = array<i32>} : memref<32x128xi32, #tpu.memory_space<vmem>>, vector<16xi32>,
          %parallel_loop3A_450 = tpu.vector_load_idx %arg5[%broadcast_in_dim3A_2, %parallel_loop3A_449] : memref<1x100000xf32, #tpu.memory_space<vmem>>[vector<16xi32>, vector<16xi32>], vector<16xf32>,
          %parallel_loop3A_451 = arith.constant 0 : i32
          %parallel_loop3A_452 = arith.index_cast %parallel_loop3A_451 : i32 to index
          %parallel_loop3A_453 = arith.index_cast %parallel_loop3A_420 : i32 to index
          %parallel_loop3A_454 = tpu.vector_load %arg8[%parallel_loop3A_452, %parallel_loop3A_453] {strides = array<i32>} : memref<1x4096xf32, #tpu.memory_space<vmem>>, vector<16xf32>,
          tpu.vector_store %arg8[%parallel_loop3A_452, %parallel_loop3A_453], %parallel_loop3A_450 {strides = array<i32>} : memref<1x4096xf32, #tpu.memory_space<vmem>>, vector<16xf32>,
        } {sc.loop_unroll_factor = 16 : i64, sc.parallel_access}
        %mul3A_111 = arith.constant 8 : i32
        %mul3A_112 = arith.muli %scan3A_54, %mul3A_111 : i32
        %add3A_113 = arith.addi %mul3A_112, %add3A_90 : i32
        %dma_start3A_114 = arith.constant 0 : i32
        %dma_start3A_115 = tpu.memref_slice %arg4[%add3A_113, %add3A_11, %dma_start3A_114] : memref<200x64x4096xf32, #tpu.memory_space<hbm>> -> memref<1x1x4096xf32, #tpu.memory_space<hbm>>
        %dma_start3A_116 = tpu.memref_squeeze %dma_start3A_115 : memref<1x1x4096xf32, #tpu.memory_space<hbm>> -> memref<1x4096xf32, #tpu.memory_space<hbm>>
        %dma_start3A_117 = arith.constant 0 : i32
        %dma_start3A_118 = tpu.memref_slice %arg4[%add3A_113, %add3A_11, %dma_start3A_117] : memref<200x64x4096xf32, #tpu.memory_space<hbm>> -> memref<1x1x4096xf32, #tpu.memory_space<hbm>>
        %dma_start3A_119 = tpu.memref_squeeze %dma_start3A_118 : memref<1x1x4096xf32, #tpu.memory_space<hbm>> -> memref<1x4096xf32, #tpu.memory_space<hbm>>
        tpu.enqueue_dma source(%arg8 : memref<1x4096xf32, #tpu.memory_space<vmem>>) target(%dma_start3A_119 : memref<1x4096xf32, #tpu.memory_space<hbm>>) target_semaphore(%arg15 : memref<!tpu.dma_semaphore, #tpu.memory_space<semaphore_mem>>)
        %add3A_120 = arith.constant 2 : i32
        %add3A_121 = arith.addi %add3A_90, %add3A_120 : i32
        %lt3A_122 = arith.constant 8 : i32
        %lt3A_123 = arith.cmpi slt, %add3A_121, %lt3A_122 : i32
        %convert_element_type3A_124 = arith.extui %lt3A_123 : i1 to i32
        %cond3A_125 = arith.constant 0 : i32
        %cond3A_126 = arith.cmpi ne, %convert_element_type3A_124, %cond3A_125 : i32
        scf.if %cond3A_126 {
          %add3A_420 = arith.constant 2 : i32
          %add3A_421 = arith.addi %add3A_90, %add3A_420 : i32
          %rem3A_422 = arith.constant 2 : i32
          %rem3A_423 = arith.remsi %scan3A_54, %rem3A_422 : i32
          %mul3A_424 = arith.constant 32 : i32
          %mul3A_425 = arith.muli %add3A_421, %mul3A_424 : i32
          %dma_start3A_426 = arith.constant 0 : i32
          %dma_start3A_427 = tpu.memref_slice %arg12[%rem3A_423, %mul3A_425, %dma_start3A_426] : memref<2x256x128xi32, #tpu.memory_space<vmem_shared>> -> memref<1x32x128xi32, #tpu.memory_space<vmem_shared>>
          %dma_start3A_428 = tpu.memref_squeeze %dma_start3A_427 : memref<1x32x128xi32, #tpu.memory_space<vmem_shared>> -> memref<32x128xi32, #tpu.memory_space<vmem_shared>>
          %dma_start3A_429 = arith.constant 0 : i32
          %dma_start3A_430 = tpu.memref_slice %arg12[%rem3A_423, %mul3A_425, %dma_start3A_429] : memref<2x256x128xi32, #tpu.memory_space<vmem_shared>> -> memref<1x32x128xi32, #tpu.memory_space<vmem_shared>>
          %dma_start3A_431 = tpu.memref_squeeze %dma_start3A_430 : memref<1x32x128xi32, #tpu.memory_space<vmem_shared>> -> memref<32x128xi32, #tpu.memory_space<vmem_shared>>
          tpu.enqueue_dma source(%dma_start3A_431 : memref<32x128xi32, #tpu.memory_space<vmem_shared>>) target(%arg6 : memref<32x128xi32, #tpu.memory_space<vmem>>) target_semaphore(%arg13 : memref<!tpu.dma_semaphore, #tpu.memory_space<semaphore_mem>>)
        } else {
        }
        %mul3A_127 = arith.constant 2 : i32
        %mul3A_128 = arith.muli %scan3A_84, %mul3A_127 : i32
        %mul3A_129 = arith.constant 4 : i32
        %mul3A_130 = arith.muli %mul3A_128, %mul3A_129 : i32
        %add3A_131 = arith.constant 1 : i32
        %add3A_132 = arith.addi %mul3A_130, %add3A_131 : i32
        %eq3A_133 = arith.constant 0 : i32
        %eq3A_134 = arith.cmpi eq, %scan3A_54, %eq3A_133 : i32
        %eq3A_135 = arith.constant 0 : i32
        %eq3A_136 = arith.cmpi eq, %scan3A_84, %eq3A_135 : i32
        %and3A_137 = arith.andi %eq3A_134, %eq3A_136 : i1
        %dma_wait3A_138 = arith.constant 0 : i32
        %dma_wait3A_139 = arith.constant 0 : i32
        %dma_wait3A_140 = arith.constant 0 : i32
        %dma_wait3A_141 = tpu.memref_slice %arg12[%dma_wait3A_138, %dma_wait3A_139, %dma_wait3A_140] : memref<2x256x128xi32, #tpu.memory_space<vmem_shared>> -> memref<1x32x128xi32, #tpu.memory_space<vmem_shared>>
        %dma_wait3A_142 = tpu.memref_squeeze %dma_wait3A_141 : memref<1x32x128xi32, #tpu.memory_space<vmem_shared>> -> memref<32x128xi32, #tpu.memory_space<vmem_shared>>
        %dma_wait3A_143 = arith.constant 0 : i32
        %dma_wait3A_144 = arith.constant 0 : i32
        %dma_wait3A_145 = tpu.memref_slice %arg12[%dma_wait3A_138, %dma_wait3A_143, %dma_wait3A_144] : memref<2x256x128xi32, #tpu.memory_space<vmem_shared>> -> memref<1x32x128xi32, #tpu.memory_space<vmem_shared>>
        %dma_wait3A_146 = tpu.memref_squeeze %dma_wait3A_145 : memref<1x32x128xi32, #tpu.memory_space<vmem_shared>> -> memref<32x128xi32, #tpu.memory_space<vmem_shared>>
        tpu.wait_dma2 semaphore(%arg14 : memref<!tpu.dma_semaphore, #tpu.memory_space<semaphore_mem>>) src(%dma_wait3A_146 : memref<32x128xi32, #tpu.memory_space<vmem_shared>>) dst(%arg7 : memref<32x128xi32, #tpu.memory_space<vmem>>)
        %not3A_147 = arith.constant true
        %not3A_148 = arith.xori %and3A_137, %not3A_147 : i1
        %convert_element_type3A_149 = arith.extui %not3A_148 : i1 to i32
        %cond3A_150 = arith.constant 0 : i32
        %cond3A_151 = arith.cmpi ne, %convert_element_type3A_149, %cond3A_150 : i32
        scf.if %cond3A_151 {
          %dma_wait3A_420 = arith.constant 0 : i32
          %dma_wait3A_421 = arith.constant 0 : i32
          %dma_wait3A_422 = arith.constant 0 : i32
          %dma_wait3A_423 = tpu.memref_slice %arg4[%dma_wait3A_420, %dma_wait3A_421, %dma_wait3A_422] : memref<200x64x4096xf32, #tpu.memory_space<hbm>> -> memref<1x1x4096xf32, #tpu.memory_space<hbm>>
          %dma_wait3A_424 = tpu.memref_squeeze %dma_wait3A_423 : memref<1x1x4096xf32, #tpu.memory_space<hbm>> -> memref<1x4096xf32, #tpu.memory_space<hbm>>
          %dma_wait3A_425 = arith.constant 0 : i32
          %dma_wait3A_426 = arith.constant 0 : i32
          %dma_wait3A_427 = tpu.memref_slice %arg4[%dma_wait3A_420, %dma_wait3A_425, %dma_wait3A_426] : memref<200x64x4096xf32, #tpu.memory_space<hbm>> -> memref<1x1x4096xf32, #tpu.memory_space<hbm>>
          %dma_wait3A_428 = tpu.memref_squeeze %dma_wait3A_427 : memref<1x1x4096xf32, #tpu.memory_space<hbm>> -> memref<1x4096xf32, #tpu.memory_space<hbm>>
          tpu.wait_dma2 semaphore(%arg16 : memref<!tpu.dma_semaphore, #tpu.memory_space<semaphore_mem>>) src(%arg9 : memref<1x4096xf32, #tpu.memory_space<vmem>>) dst(%dma_wait3A_428 : memref<1x4096xf32, #tpu.memory_space<hbm>>)
        } else {
        }
        %parallel_loop3A_152 = arith.constant 0 : i32
        %parallel_loop3A_153 = arith.constant 4096 : i32
        %parallel_loop3A_154 = arith.constant 16 : i32
        scf.for %parallel_loop3A_420 = %parallel_loop3A_152 to %parallel_loop3A_153 step %parallel_loop3A_154  : i32 {
          %parallel_loop3A_421 = arith.constant 128 : i32
          %parallel_loop3A_422 = arith.divsi %parallel_loop3A_420, %parallel_loop3A_421 : i32
          %parallel_loop3A_423 = arith.constant 0 : i32
          %parallel_loop3A_424 = arith.cmpi sgt, %parallel_loop3A_420, %parallel_loop3A_423 : i32
          %parallel_loop3A_425 = arith.extui %parallel_loop3A_424 : i1 to i32
          %parallel_loop3A_426 = arith.constant 0 : i32
          %parallel_loop3A_427 = arith.cmpi slt, %parallel_loop3A_420, %parallel_loop3A_426 : i32
          %parallel_loop3A_428 = arith.extui %parallel_loop3A_427 : i1 to i32
          %parallel_loop3A_429 = arith.subi %parallel_loop3A_425, %parallel_loop3A_428 : i32
          %parallel_loop3A_430 = arith.constant 0 : i32
          %parallel_loop3A_431 = arith.cmpi sgt, %parallel_loop3A_421, %parallel_loop3A_430 : i32
          %parallel_loop3A_432 = arith.extui %parallel_loop3A_431 : i1 to i32
          %parallel_loop3A_433 = arith.constant 0 : i32
          %parallel_loop3A_434 = arith.cmpi slt, %parallel_loop3A_421, %parallel_loop3A_433 : i32
          %parallel_loop3A_435 = arith.extui %parallel_loop3A_434 : i1 to i32
          %parallel_loop3A_436 = arith.subi %parallel_loop3A_432, %parallel_loop3A_435 : i32
          %parallel_loop3A_437 = arith.cmpi ne, %parallel_loop3A_429, %parallel_loop3A_436 : i32
          %parallel_loop3A_438 = arith.remsi %parallel_loop3A_420, %parallel_loop3A_421 : i32
          %parallel_loop3A_439 = arith.constant 0 : i32
          %parallel_loop3A_440 = arith.cmpi ne, %parallel_loop3A_438, %parallel_loop3A_439 : i32
          %parallel_loop3A_441 = arith.andi %parallel_loop3A_437, %parallel_loop3A_440 : i1
          %parallel_loop3A_442 = arith.constant 1 : i32
          %parallel_loop3A_443 = arith.subi %parallel_loop3A_422, %parallel_loop3A_442 : i32
          %parallel_loop3A_444 = arith.select %parallel_loop3A_441, %parallel_loop3A_443, %parallel_loop3A_422 : i32
          %parallel_loop3A_445 = arith.constant 128 : i32
          %parallel_loop3A_446 = arith.remsi %parallel_loop3A_420, %parallel_loop3A_445 : i32
          %parallel_loop3A_447 = arith.index_cast %parallel_loop3A_444 : i32 to index
          %parallel_loop3A_448 = arith.index_cast %parallel_loop3A_446 : i32 to index
          %parallel_loop3A_449 = tpu.vector_load %arg7[%parallel_loop3A_447, %parallel_loop3A_448] {strides = array<i32>} : memref<32x128xi32, #tpu.memory_space<vmem>>, vector<16xi32>,
          %parallel_loop3A_450 = tpu.vector_load_idx %arg5[%broadcast_in_dim3A_2, %parallel_loop3A_449] : memref<1x100000xf32, #tpu.memory_space<vmem>>[vector<16xi32>, vector<16xi32>], vector<16xf32>,
          %parallel_loop3A_451 = arith.constant 0 : i32
          %parallel_loop3A_452 = arith.index_cast %parallel_loop3A_451 : i32 to index
          %parallel_loop3A_453 = arith.index_cast %parallel_loop3A_420 : i32 to index
          %parallel_loop3A_454 = tpu.vector_load %arg9[%parallel_loop3A_452, %parallel_loop3A_453] {strides = array<i32>} : memref<1x4096xf32, #tpu.memory_space<vmem>>, vector<16xf32>,
          tpu.vector_store %arg9[%parallel_loop3A_452, %parallel_loop3A_453], %parallel_loop3A_450 {strides = array<i32>} : memref<1x4096xf32, #tpu.memory_space<vmem>>, vector<16xf32>,
        } {sc.loop_unroll_factor = 16 : i64, sc.parallel_access}
        %mul3A_155 = arith.constant 8 : i32
        %mul3A_156 = arith.muli %scan3A_54, %mul3A_155 : i32
        %add3A_157 = arith.addi %mul3A_156, %add3A_132 : i32
        %dma_start3A_158 = arith.constant 0 : i32
        %dma_start3A_159 = tpu.memref_slice %arg4[%add3A_157, %add3A_11, %dma_start3A_158] : memref<200x64x4096xf32, #tpu.memory_space<hbm>> -> memref<1x1x4096xf32, #tpu.memory_space<hbm>>
        %dma_start3A_160 = tpu.memref_squeeze %dma_start3A_159 : memref<1x1x4096xf32, #tpu.memory_space<hbm>> -> memref<1x4096xf32, #tpu.memory_space<hbm>>
        %dma_start3A_161 = arith.constant 0 : i32
        %dma_start3A_162 = tpu.memref_slice %arg4[%add3A_157, %add3A_11, %dma_start3A_161] : memref<200x64x4096xf32, #tpu.memory_space<hbm>> -> memref<1x1x4096xf32, #tpu.memory_space<hbm>>
        %dma_start3A_163 = tpu.memref_squeeze %dma_start3A_162 : memref<1x1x4096xf32, #tpu.memory_space<hbm>> -> memref<1x4096xf32, #tpu.memory_space<hbm>>
        tpu.enqueue_dma source(%arg9 : memref<1x4096xf32, #tpu.memory_space<vmem>>) target(%dma_start3A_163 : memref<1x4096xf32, #tpu.memory_space<hbm>>) target_semaphore(%arg16 : memref<!tpu.dma_semaphore, #tpu.memory_space<semaphore_mem>>)
        %add3A_164 = arith.constant 2 : i32
        %add3A_165 = arith.addi %add3A_132, %add3A_164 : i32
        %lt3A_166 = arith.constant 8 : i32
        %lt3A_167 = arith.cmpi slt, %add3A_165, %lt3A_166 : i32
        %convert_element_type3A_168 = arith.extui %lt3A_167 : i1 to i32
        %cond3A_169 = arith.constant 0 : i32
        %cond3A_170 = arith.cmpi ne, %convert_element_type3A_168, %cond3A_169 : i32
        scf.if %cond3A_170 {
          %add3A_420 = arith.constant 2 : i32
          %add3A_421 = arith.addi %add3A_132, %add3A_420 : i32
          %rem3A_422 = arith.constant 2 : i32
          %rem3A_423 = arith.remsi %scan3A_54, %rem3A_422 : i32
          %mul3A_424 = arith.constant 32 : i32
          %mul3A_425 = arith.muli %add3A_421, %mul3A_424 : i32
          %dma_start3A_426 = arith.constant 0 : i32
          %dma_start3A_427 = tpu.memref_slice %arg12[%rem3A_423, %mul3A_425, %dma_start3A_426] : memref<2x256x128xi32, #tpu.memory_space<vmem_shared>> -> memref<1x32x128xi32, #tpu.memory_space<vmem_shared>>
          %dma_start3A_428 = tpu.memref_squeeze %dma_start3A_427 : memref<1x32x128xi32, #tpu.memory_space<vmem_shared>> -> memref<32x128xi32, #tpu.memory_space<vmem_shared>>
          %dma_start3A_429 = arith.constant 0 : i32
          %dma_start3A_430 = tpu.memref_slice %arg12[%rem3A_423, %mul3A_425, %dma_start3A_429] : memref<2x256x128xi32, #tpu.memory_space<vmem_shared>> -> memref<1x32x128xi32, #tpu.memory_space<vmem_shared>>
          %dma_start3A_431 = tpu.memref_squeeze %dma_start3A_430 : memref<1x32x128xi32, #tpu.memory_space<vmem_shared>> -> memref<32x128xi32, #tpu.memory_space<vmem_shared>>
          tpu.enqueue_dma source(%dma_start3A_431 : memref<32x128xi32, #tpu.memory_space<vmem_shared>>) target(%arg7 : memref<32x128xi32, #tpu.memory_space<vmem>>) target_semaphore(%arg14 : memref<!tpu.dma_semaphore, #tpu.memory_space<semaphore_mem>>)
        } else {
        }
        %mul3A_171 = arith.constant 2 : i32
        %mul3A_172 = arith.muli %scan3A_84, %mul3A_171 : i32
        %mul3A_173 = arith.constant 4 : i32
        %mul3A_174 = arith.muli %mul3A_172, %mul3A_173 : i32
        %add3A_175 = arith.constant 2 : i32
        %add3A_176 = arith.addi %mul3A_174, %add3A_175 : i32
        %eq3A_177 = arith.constant 0 : i32
        %eq3A_178 = arith.cmpi eq, %scan3A_54, %eq3A_177 : i32
        %eq3A_179 = arith.constant 0 : i32
        %eq3A_180 = arith.cmpi eq, %scan3A_84, %eq3A_179 : i32
        %and3A_181 = arith.andi %eq3A_178, %eq3A_180 : i1
        %dma_wait3A_182 = arith.constant 0 : i32
        %dma_wait3A_183 = arith.constant 0 : i32
        %dma_wait3A_184 = arith.constant 0 : i32
        %dma_wait3A_185 = tpu.memref_slice %arg12[%dma_wait3A_182, %dma_wait3A_183, %dma_wait3A_184] : memref<2x256x128xi32, #tpu.memory_space<vmem_shared>> -> memref<1x32x128xi32, #tpu.memory_space<vmem_shared>>
        %dma_wait3A_186 = tpu.memref_squeeze %dma_wait3A_185 : memref<1x32x128xi32, #tpu.memory_space<vmem_shared>> -> memref<32x128xi32, #tpu.memory_space<vmem_shared>>
        %dma_wait3A_187 = arith.constant 0 : i32
        %dma_wait3A_188 = arith.constant 0 : i32
        %dma_wait3A_189 = tpu.memref_slice %arg12[%dma_wait3A_182, %dma_wait3A_187, %dma_wait3A_188] : memref<2x256x128xi32, #tpu.memory_space<vmem_shared>> -> memref<1x32x128xi32, #tpu.memory_space<vmem_shared>>
        %dma_wait3A_190 = tpu.memref_squeeze %dma_wait3A_189 : memref<1x32x128xi32, #tpu.memory_space<vmem_shared>> -> memref<32x128xi32, #tpu.memory_space<vmem_shared>>
        tpu.wait_dma2 semaphore(%arg13 : memref<!tpu.dma_semaphore, #tpu.memory_space<semaphore_mem>>) src(%dma_wait3A_190 : memref<32x128xi32, #tpu.memory_space<vmem_shared>>) dst(%arg6 : memref<32x128xi32, #tpu.memory_space<vmem>>)
        %not3A_191 = arith.constant true
        %not3A_192 = arith.xori %and3A_181, %not3A_191 : i1
        %convert_element_type3A_193 = arith.extui %not3A_192 : i1 to i32
        %cond3A_194 = arith.constant 0 : i32
        %cond3A_195 = arith.cmpi ne, %convert_element_type3A_193, %cond3A_194 : i32
        scf.if %cond3A_195 {
          %dma_wait3A_420 = arith.constant 0 : i32
          %dma_wait3A_421 = arith.constant 0 : i32
          %dma_wait3A_422 = arith.constant 0 : i32
          %dma_wait3A_423 = tpu.memref_slice %arg4[%dma_wait3A_420, %dma_wait3A_421, %dma_wait3A_422] : memref<200x64x4096xf32, #tpu.memory_space<hbm>> -> memref<1x1x4096xf32, #tpu.memory_space<hbm>>
          %dma_wait3A_424 = tpu.memref_squeeze %dma_wait3A_423 : memref<1x1x4096xf32, #tpu.memory_space<hbm>> -> memref<1x4096xf32, #tpu.memory_space<hbm>>
          %dma_wait3A_425 = arith.constant 0 : i32
          %dma_wait3A_426 = arith.constant 0 : i32
          %dma_wait3A_427 = tpu.memref_slice %arg4[%dma_wait3A_420, %dma_wait3A_425, %dma_wait3A_426] : memref<200x64x4096xf32, #tpu.memory_space<hbm>> -> memref<1x1x4096xf32, #tpu.memory_space<hbm>>
          %dma_wait3A_428 = tpu.memref_squeeze %dma_wait3A_427 : memref<1x1x4096xf32, #tpu.memory_space<hbm>> -> memref<1x4096xf32, #tpu.memory_space<hbm>>
          tpu.wait_dma2 semaphore(%arg17 : memref<!tpu.dma_semaphore, #tpu.memory_space<semaphore_mem>>) src(%arg10 : memref<1x4096xf32, #tpu.memory_space<vmem>>) dst(%dma_wait3A_428 : memref<1x4096xf32, #tpu.memory_space<hbm>>)
        } else {
        }
        %parallel_loop3A_196 = arith.constant 0 : i32
        %parallel_loop3A_197 = arith.constant 4096 : i32
        %parallel_loop3A_198 = arith.constant 16 : i32
        scf.for %parallel_loop3A_420 = %parallel_loop3A_196 to %parallel_loop3A_197 step %parallel_loop3A_198  : i32 {
          %parallel_loop3A_421 = arith.constant 128 : i32
          %parallel_loop3A_422 = arith.divsi %parallel_loop3A_420, %parallel_loop3A_421 : i32
          %parallel_loop3A_423 = arith.constant 0 : i32
          %parallel_loop3A_424 = arith.cmpi sgt, %parallel_loop3A_420, %parallel_loop3A_423 : i32
          %parallel_loop3A_425 = arith.extui %parallel_loop3A_424 : i1 to i32
          %parallel_loop3A_426 = arith.constant 0 : i32
          %parallel_loop3A_427 = arith.cmpi slt, %parallel_loop3A_420, %parallel_loop3A_426 : i32
          %parallel_loop3A_428 = arith.extui %parallel_loop3A_427 : i1 to i32
          %parallel_loop3A_429 = arith.subi %parallel_loop3A_425, %parallel_loop3A_428 : i32
          %parallel_loop3A_430 = arith.constant 0 : i32
          %parallel_loop3A_431 = arith.cmpi sgt, %parallel_loop3A_421, %parallel_loop3A_430 : i32
          %parallel_loop3A_432 = arith.extui %parallel_loop3A_431 : i1 to i32
          %parallel_loop3A_433 = arith.constant 0 : i32
          %parallel_loop3A_434 = arith.cmpi slt, %parallel_loop3A_421, %parallel_loop3A_433 : i32
          %parallel_loop3A_435 = arith.extui %parallel_loop3A_434 : i1 to i32
          %parallel_loop3A_436 = arith.subi %parallel_loop3A_432, %parallel_loop3A_435 : i32
          %parallel_loop3A_437 = arith.cmpi ne, %parallel_loop3A_429, %parallel_loop3A_436 : i32
          %parallel_loop3A_438 = arith.remsi %parallel_loop3A_420, %parallel_loop3A_421 : i32
          %parallel_loop3A_439 = arith.constant 0 : i32
          %parallel_loop3A_440 = arith.cmpi ne, %parallel_loop3A_438, %parallel_loop3A_439 : i32
          %parallel_loop3A_441 = arith.andi %parallel_loop3A_437, %parallel_loop3A_440 : i1
          %parallel_loop3A_442 = arith.constant 1 : i32
          %parallel_loop3A_443 = arith.subi %parallel_loop3A_422, %parallel_loop3A_442 : i32
          %parallel_loop3A_444 = arith.select %parallel_loop3A_441, %parallel_loop3A_443, %parallel_loop3A_422 : i32
          %parallel_loop3A_445 = arith.constant 128 : i32
          %parallel_loop3A_446 = arith.remsi %parallel_loop3A_420, %parallel_loop3A_445 : i32
          %parallel_loop3A_447 = arith.index_cast %parallel_loop3A_444 : i32 to index
          %parallel_loop3A_448 = arith.index_cast %parallel_loop3A_446 : i32 to index
          %parallel_loop3A_449 = tpu.vector_load %arg6[%parallel_loop3A_447, %parallel_loop3A_448] {strides = array<i32>} : memref<32x128xi32, #tpu.memory_space<vmem>>, vector<16xi32>,
          %parallel_loop3A_450 = tpu.vector_load_idx %arg5[%broadcast_in_dim3A_2, %parallel_loop3A_449] : memref<1x100000xf32, #tpu.memory_space<vmem>>[vector<16xi32>, vector<16xi32>], vector<16xf32>,
          %parallel_loop3A_451 = arith.constant 0 : i32
          %parallel_loop3A_452 = arith.index_cast %parallel_loop3A_451 : i32 to index
          %parallel_loop3A_453 = arith.index_cast %parallel_loop3A_420 : i32 to index
          %parallel_loop3A_454 = tpu.vector_load %arg10[%parallel_loop3A_452, %parallel_loop3A_453] {strides = array<i32>} : memref<1x4096xf32, #tpu.memory_space<vmem>>, vector<16xf32>,
          tpu.vector_store %arg10[%parallel_loop3A_452, %parallel_loop3A_453], %parallel_loop3A_450 {strides = array<i32>} : memref<1x4096xf32, #tpu.memory_space<vmem>>, vector<16xf32>,
        } {sc.loop_unroll_factor = 16 : i64, sc.parallel_access}
        %mul3A_199 = arith.constant 8 : i32
        %mul3A_200 = arith.muli %scan3A_54, %mul3A_199 : i32
        %add3A_201 = arith.addi %mul3A_200, %add3A_176 : i32
        %dma_start3A_202 = arith.constant 0 : i32
        %dma_start3A_203 = tpu.memref_slice %arg4[%add3A_201, %add3A_11, %dma_start3A_202] : memref<200x64x4096xf32, #tpu.memory_space<hbm>> -> memref<1x1x4096xf32, #tpu.memory_space<hbm>>
        %dma_start3A_204 = tpu.memref_squeeze %dma_start3A_203 : memref<1x1x4096xf32, #tpu.memory_space<hbm>> -> memref<1x4096xf32, #tpu.memory_space<hbm>>
        %dma_start3A_205 = arith.constant 0 : i32
        %dma_start3A_206 = tpu.memref_slice %arg4[%add3A_201, %add3A_11, %dma_start3A_205] : memref<200x64x4096xf32, #tpu.memory_space<hbm>> -> memref<1x1x4096xf32, #tpu.memory_space<hbm>>
        %dma_start3A_207 = tpu.memref_squeeze %dma_start3A_206 : memref<1x1x4096xf32, #tpu.memory_space<hbm>> -> memref<1x4096xf32, #tpu.memory_space<hbm>>
        tpu.enqueue_dma source(%arg10 : memref<1x4096xf32, #tpu.memory_space<vmem>>) target(%dma_start3A_207 : memref<1x4096xf32, #tpu.memory_space<hbm>>) target_semaphore(%arg17 : memref<!tpu.dma_semaphore, #tpu.memory_space<semaphore_mem>>)
        %add3A_208 = arith.constant 2 : i32
        %add3A_209 = arith.addi %add3A_176, %add3A_208 : i32
        %lt3A_210 = arith.constant 8 : i32
        %lt3A_211 = arith.cmpi slt, %add3A_209, %lt3A_210 : i32
        %convert_element_type3A_212 = arith.extui %lt3A_211 : i1 to i32
        %cond3A_213 = arith.constant 0 : i32
        %cond3A_214 = arith.cmpi ne, %convert_element_type3A_212, %cond3A_213 : i32
        scf.if %cond3A_214 {
          %add3A_420 = arith.constant 2 : i32
          %add3A_421 = arith.addi %add3A_176, %add3A_420 : i32
          %rem3A_422 = arith.constant 2 : i32
          %rem3A_423 = arith.remsi %scan3A_54, %rem3A_422 : i32
          %mul3A_424 = arith.constant 32 : i32
          %mul3A_425 = arith.muli %add3A_421, %mul3A_424 : i32
          %dma_start3A_426 = arith.constant 0 : i32
          %dma_start3A_427 = tpu.memref_slice %arg12[%rem3A_423, %mul3A_425, %dma_start3A_426] : memref<2x256x128xi32, #tpu.memory_space<vmem_shared>> -> memref<1x32x128xi32, #tpu.memory_space<vmem_shared>>
          %dma_start3A_428 = tpu.memref_squeeze %dma_start3A_427 : memref<1x32x128xi32, #tpu.memory_space<vmem_shared>> -> memref<32x128xi32, #tpu.memory_space<vmem_shared>>
          %dma_start3A_429 = arith.constant 0 : i32
          %dma_start3A_430 = tpu.memref_slice %arg12[%rem3A_423, %mul3A_425, %dma_start3A_429] : memref<2x256x128xi32, #tpu.memory_space<vmem_shared>> -> memref<1x32x128xi32, #tpu.memory_space<vmem_shared>>
          %dma_start3A_431 = tpu.memref_squeeze %dma_start3A_430 : memref<1x32x128xi32, #tpu.memory_space<vmem_shared>> -> memref<32x128xi32, #tpu.memory_space<vmem_shared>>
          tpu.enqueue_dma source(%dma_start3A_431 : memref<32x128xi32, #tpu.memory_space<vmem_shared>>) target(%arg6 : memref<32x128xi32, #tpu.memory_space<vmem>>) target_semaphore(%arg13 : memref<!tpu.dma_semaphore, #tpu.memory_space<semaphore_mem>>)
        } else {
        }
        %mul3A_215 = arith.constant 2 : i32
        %mul3A_216 = arith.muli %scan3A_84, %mul3A_215 : i32
        %mul3A_217 = arith.constant 4 : i32
        %mul3A_218 = arith.muli %mul3A_216, %mul3A_217 : i32
        %add3A_219 = arith.constant 3 : i32
        %add3A_220 = arith.addi %mul3A_218, %add3A_219 : i32
        %eq3A_221 = arith.constant 0 : i32
        %eq3A_222 = arith.cmpi eq, %scan3A_54, %eq3A_221 : i32
        %eq3A_223 = arith.constant 0 : i32
        %eq3A_224 = arith.cmpi eq, %scan3A_84, %eq3A_223 : i32
        %and3A_225 = arith.andi %eq3A_222, %eq3A_224 : i1
        %dma_wait3A_226 = arith.constant 0 : i32
        %dma_wait3A_227 = arith.constant 0 : i32
        %dma_wait3A_228 = arith.constant 0 : i32
        %dma_wait3A_229 = tpu.memref_slice %arg12[%dma_wait3A_226, %dma_wait3A_227, %dma_wait3A_228] : memref<2x256x128xi32, #tpu.memory_space<vmem_shared>> -> memref<1x32x128xi32, #tpu.memory_space<vmem_shared>>
        %dma_wait3A_230 = tpu.memref_squeeze %dma_wait3A_229 : memref<1x32x128xi32, #tpu.memory_space<vmem_shared>> -> memref<32x128xi32, #tpu.memory_space<vmem_shared>>
        %dma_wait3A_231 = arith.constant 0 : i32
        %dma_wait3A_232 = arith.constant 0 : i32
        %dma_wait3A_233 = tpu.memref_slice %arg12[%dma_wait3A_226, %dma_wait3A_231, %dma_wait3A_232] : memref<2x256x128xi32, #tpu.memory_space<vmem_shared>> -> memref<1x32x128xi32, #tpu.memory_space<vmem_shared>>
        %dma_wait3A_234 = tpu.memref_squeeze %dma_wait3A_233 : memref<1x32x128xi32, #tpu.memory_space<vmem_shared>> -> memref<32x128xi32, #tpu.memory_space<vmem_shared>>
        tpu.wait_dma2 semaphore(%arg14 : memref<!tpu.dma_semaphore, #tpu.memory_space<semaphore_mem>>) src(%dma_wait3A_234 : memref<32x128xi32, #tpu.memory_space<vmem_shared>>) dst(%arg7 : memref<32x128xi32, #tpu.memory_space<vmem>>)
        %not3A_235 = arith.constant true
        %not3A_236 = arith.xori %and3A_225, %not3A_235 : i1
        %convert_element_type3A_237 = arith.extui %not3A_236 : i1 to i32
        %cond3A_238 = arith.constant 0 : i32
        %cond3A_239 = arith.cmpi ne, %convert_element_type3A_237, %cond3A_238 : i32
        scf.if %cond3A_239 {
          %dma_wait3A_420 = arith.constant 0 : i32
          %dma_wait3A_421 = arith.constant 0 : i32
          %dma_wait3A_422 = arith.constant 0 : i32
          %dma_wait3A_423 = tpu.memref_slice %arg4[%dma_wait3A_420, %dma_wait3A_421, %dma_wait3A_422] : memref<200x64x4096xf32, #tpu.memory_space<hbm>> -> memref<1x1x4096xf32, #tpu.memory_space<hbm>>
          %dma_wait3A_424 = tpu.memref_squeeze %dma_wait3A_423 : memref<1x1x4096xf32, #tpu.memory_space<hbm>> -> memref<1x4096xf32, #tpu.memory_space<hbm>>
          %dma_wait3A_425 = arith.constant 0 : i32
          %dma_wait3A_426 = arith.constant 0 : i32
          %dma_wait3A_427 = tpu.memref_slice %arg4[%dma_wait3A_420, %dma_wait3A_425, %dma_wait3A_426] : memref<200x64x4096xf32, #tpu.memory_space<hbm>> -> memref<1x1x4096xf32, #tpu.memory_space<hbm>>
          %dma_wait3A_428 = tpu.memref_squeeze %dma_wait3A_427 : memref<1x1x4096xf32, #tpu.memory_space<hbm>> -> memref<1x4096xf32, #tpu.memory_space<hbm>>
          tpu.wait_dma2 semaphore(%arg18 : memref<!tpu.dma_semaphore, #tpu.memory_space<semaphore_mem>>) src(%arg11 : memref<1x4096xf32, #tpu.memory_space<vmem>>) dst(%dma_wait3A_428 : memref<1x4096xf32, #tpu.memory_space<hbm>>)
        } else {
        }
        %parallel_loop3A_240 = arith.constant 0 : i32
        %parallel_loop3A_241 = arith.constant 4096 : i32
        %parallel_loop3A_242 = arith.constant 16 : i32
        scf.for %parallel_loop3A_420 = %parallel_loop3A_240 to %parallel_loop3A_241 step %parallel_loop3A_242  : i32 {
          %parallel_loop3A_421 = arith.constant 128 : i32
          %parallel_loop3A_422 = arith.divsi %parallel_loop3A_420, %parallel_loop3A_421 : i32
          %parallel_loop3A_423 = arith.constant 0 : i32
          %parallel_loop3A_424 = arith.cmpi sgt, %parallel_loop3A_420, %parallel_loop3A_423 : i32
          %parallel_loop3A_425 = arith.extui %parallel_loop3A_424 : i1 to i32
          %parallel_loop3A_426 = arith.constant 0 : i32
          %parallel_loop3A_427 = arith.cmpi slt, %parallel_loop3A_420, %parallel_loop3A_426 : i32
          %parallel_loop3A_428 = arith.extui %parallel_loop3A_427 : i1 to i32
          %parallel_loop3A_429 = arith.subi %parallel_loop3A_425, %parallel_loop3A_428 : i32
          %parallel_loop3A_430 = arith.constant 0 : i32
          %parallel_loop3A_431 = arith.cmpi sgt, %parallel_loop3A_421, %parallel_loop3A_430 : i32
          %parallel_loop3A_432 = arith.extui %parallel_loop3A_431 : i1 to i32
          %parallel_loop3A_433 = arith.constant 0 : i32
          %parallel_loop3A_434 = arith.cmpi slt, %parallel_loop3A_421, %parallel_loop3A_433 : i32
          %parallel_loop3A_435 = arith.extui %parallel_loop3A_434 : i1 to i32
          %parallel_loop3A_436 = arith.subi %parallel_loop3A_432, %parallel_loop3A_435 : i32
          %parallel_loop3A_437 = arith.cmpi ne, %parallel_loop3A_429, %parallel_loop3A_436 : i32
          %parallel_loop3A_438 = arith.remsi %parallel_loop3A_420, %parallel_loop3A_421 : i32
          %parallel_loop3A_439 = arith.constant 0 : i32
          %parallel_loop3A_440 = arith.cmpi ne, %parallel_loop3A_438, %parallel_loop3A_439 : i32
          %parallel_loop3A_441 = arith.andi %parallel_loop3A_437, %parallel_loop3A_440 : i1
          %parallel_loop3A_442 = arith.constant 1 : i32
          %parallel_loop3A_443 = arith.subi %parallel_loop3A_422, %parallel_loop3A_442 : i32
          %parallel_loop3A_444 = arith.select %parallel_loop3A_441, %parallel_loop3A_443, %parallel_loop3A_422 : i32
          %parallel_loop3A_445 = arith.constant 128 : i32
          %parallel_loop3A_446 = arith.remsi %parallel_loop3A_420, %parallel_loop3A_445 : i32
          %parallel_loop3A_447 = arith.index_cast %parallel_loop3A_444 : i32 to index
          %parallel_loop3A_448 = arith.index_cast %parallel_loop3A_446 : i32 to index
          %parallel_loop3A_449 = tpu.vector_load %arg7[%parallel_loop3A_447, %parallel_loop3A_448] {strides = array<i32>} : memref<32x128xi32, #tpu.memory_space<vmem>>, vector<16xi32>,
          %parallel_loop3A_450 = tpu.vector_load_idx %arg5[%broadcast_in_dim3A_2, %parallel_loop3A_449] : memref<1x100000xf32, #tpu.memory_space<vmem>>[vector<16xi32>, vector<16xi32>], vector<16xf32>,
          %parallel_loop3A_451 = arith.constant 0 : i32
          %parallel_loop3A_452 = arith.index_cast %parallel_loop3A_451 : i32 to index
          %parallel_loop3A_453 = arith.index_cast %parallel_loop3A_420 : i32 to index
          %parallel_loop3A_454 = tpu.vector_load %arg11[%parallel_loop3A_452, %parallel_loop3A_453] {strides = array<i32>} : memref<1x4096xf32, #tpu.memory_space<vmem>>, vector<16xf32>,
          tpu.vector_store %arg11[%parallel_loop3A_452, %parallel_loop3A_453], %parallel_loop3A_450 {strides = array<i32>} : memref<1x4096xf32, #tpu.memory_space<vmem>>, vector<16xf32>,
        } {sc.loop_unroll_factor = 16 : i64, sc.parallel_access}
        %mul3A_243 = arith.constant 8 : i32
        %mul3A_244 = arith.muli %scan3A_54, %mul3A_243 : i32
        %add3A_245 = arith.addi %mul3A_244, %add3A_220 : i32
        %dma_start3A_246 = arith.constant 0 : i32
        %dma_start3A_247 = tpu.memref_slice %arg4[%add3A_245, %add3A_11, %dma_start3A_246] : memref<200x64x4096xf32, #tpu.memory_space<hbm>> -> memref<1x1x4096xf32, #tpu.memory_space<hbm>>
        %dma_start3A_248 = tpu.memref_squeeze %dma_start3A_247 : memref<1x1x4096xf32, #tpu.memory_space<hbm>> -> memref<1x4096xf32, #tpu.memory_space<hbm>>
        %dma_start3A_249 = arith.constant 0 : i32
        %dma_start3A_250 = tpu.memref_slice %arg4[%add3A_245, %add3A_11, %dma_start3A_249] : memref<200x64x4096xf32, #tpu.memory_space<hbm>> -> memref<1x1x4096xf32, #tpu.memory_space<hbm>>
        %dma_start3A_251 = tpu.memref_squeeze %dma_start3A_250 : memref<1x1x4096xf32, #tpu.memory_space<hbm>> -> memref<1x4096xf32, #tpu.memory_space<hbm>>
        tpu.enqueue_dma source(%arg11 : memref<1x4096xf32, #tpu.memory_space<vmem>>) target(%dma_start3A_251 : memref<1x4096xf32, #tpu.memory_space<hbm>>) target_semaphore(%arg18 : memref<!tpu.dma_semaphore, #tpu.memory_space<semaphore_mem>>)
        %add3A_252 = arith.constant 2 : i32
        %add3A_253 = arith.addi %add3A_220, %add3A_252 : i32
        %lt3A_254 = arith.constant 8 : i32
        %lt3A_255 = arith.cmpi slt, %add3A_253, %lt3A_254 : i32
        %convert_element_type3A_256 = arith.extui %lt3A_255 : i1 to i32
        %cond3A_257 = arith.constant 0 : i32
        %cond3A_258 = arith.cmpi ne, %convert_element_type3A_256, %cond3A_257 : i32
        scf.if %cond3A_258 {
          %add3A_420 = arith.constant 2 : i32
          %add3A_421 = arith.addi %add3A_220, %add3A_420 : i32
          %rem3A_422 = arith.constant 2 : i32
          %rem3A_423 = arith.remsi %scan3A_54, %rem3A_422 : i32
          %mul3A_424 = arith.constant 32 : i32
          %mul3A_425 = arith.muli %add3A_421, %mul3A_424 : i32
          %dma_start3A_426 = arith.constant 0 : i32
          %dma_start3A_427 = tpu.memref_slice %arg12[%rem3A_423, %mul3A_425, %dma_start3A_426] : memref<2x256x128xi32, #tpu.memory_space<vmem_shared>> -> memref<1x32x128xi32, #tpu.memory_space<vmem_shared>>
          %dma_start3A_428 = tpu.memref_squeeze %dma_start3A_427 : memref<1x32x128xi32, #tpu.memory_space<vmem_shared>> -> memref<32x128xi32, #tpu.memory_space<vmem_shared>>
          %dma_start3A_429 = arith.constant 0 : i32
          %dma_start3A_430 = tpu.memref_slice %arg12[%rem3A_423, %mul3A_425, %dma_start3A_429] : memref<2x256x128xi32, #tpu.memory_space<vmem_shared>> -> memref<1x32x128xi32, #tpu.memory_space<vmem_shared>>
          %dma_start3A_431 = tpu.memref_squeeze %dma_start3A_430 : memref<1x32x128xi32, #tpu.memory_space<vmem_shared>> -> memref<32x128xi32, #tpu.memory_space<vmem_shared>>
          tpu.enqueue_dma source(%dma_start3A_431 : memref<32x128xi32, #tpu.memory_space<vmem_shared>>) target(%arg7 : memref<32x128xi32, #tpu.memory_space<vmem>>) target_semaphore(%arg14 : memref<!tpu.dma_semaphore, #tpu.memory_space<semaphore_mem>>)
        } else {
        }
        %mul3A_259 = arith.constant 2 : i32
        %mul3A_260 = arith.muli %scan3A_84, %mul3A_259 : i32
        %mul3A_261 = arith.constant 4 : i32
        %mul3A_262 = arith.muli %mul3A_260, %mul3A_261 : i32
        %add3A_263 = arith.constant 4 : i32
        %add3A_264 = arith.addi %mul3A_262, %add3A_263 : i32
        %dma_wait3A_265 = arith.constant 0 : i32
        %dma_wait3A_266 = arith.constant 0 : i32
        %dma_wait3A_267 = arith.constant 0 : i32
        %dma_wait3A_268 = tpu.memref_slice %arg12[%dma_wait3A_265, %dma_wait3A_266, %dma_wait3A_267] : memref<2x256x128xi32, #tpu.memory_space<vmem_shared>> -> memref<1x32x128xi32, #tpu.memory_space<vmem_shared>>
        %dma_wait3A_269 = tpu.memref_squeeze %dma_wait3A_268 : memref<1x32x128xi32, #tpu.memory_space<vmem_shared>> -> memref<32x128xi32, #tpu.memory_space<vmem_shared>>
        %dma_wait3A_270 = arith.constant 0 : i32
        %dma_wait3A_271 = arith.constant 0 : i32
        %dma_wait3A_272 = tpu.memref_slice %arg12[%dma_wait3A_265, %dma_wait3A_270, %dma_wait3A_271] : memref<2x256x128xi32, #tpu.memory_space<vmem_shared>> -> memref<1x32x128xi32, #tpu.memory_space<vmem_shared>>
        %dma_wait3A_273 = tpu.memref_squeeze %dma_wait3A_272 : memref<1x32x128xi32, #tpu.memory_space<vmem_shared>> -> memref<32x128xi32, #tpu.memory_space<vmem_shared>>
        tpu.wait_dma2 semaphore(%arg13 : memref<!tpu.dma_semaphore, #tpu.memory_space<semaphore_mem>>) src(%dma_wait3A_273 : memref<32x128xi32, #tpu.memory_space<vmem_shared>>) dst(%arg6 : memref<32x128xi32, #tpu.memory_space<vmem>>)
        %not3A_274 = arith.constant false
        %not3A_275 = arith.constant true
        %not3A_276 = arith.xori %not3A_274, %not3A_275 : i1
        %convert_element_type3A_277 = arith.extui %not3A_276 : i1 to i32
        %cond3A_278 = arith.constant 0 : i32
        %cond3A_279 = arith.cmpi ne, %convert_element_type3A_277, %cond3A_278 : i32
        scf.if %cond3A_279 {
          %dma_wait3A_420 = arith.constant 0 : i32
          %dma_wait3A_421 = arith.constant 0 : i32
          %dma_wait3A_422 = arith.constant 0 : i32
          %dma_wait3A_423 = tpu.memref_slice %arg4[%dma_wait3A_420, %dma_wait3A_421, %dma_wait3A_422] : memref<200x64x4096xf32, #tpu.memory_space<hbm>> -> memref<1x1x4096xf32, #tpu.memory_space<hbm>>
          %dma_wait3A_424 = tpu.memref_squeeze %dma_wait3A_423 : memref<1x1x4096xf32, #tpu.memory_space<hbm>> -> memref<1x4096xf32, #tpu.memory_space<hbm>>
          %dma_wait3A_425 = arith.constant 0 : i32
          %dma_wait3A_426 = arith.constant 0 : i32
          %dma_wait3A_427 = tpu.memref_slice %arg4[%dma_wait3A_420, %dma_wait3A_425, %dma_wait3A_426] : memref<200x64x4096xf32, #tpu.memory_space<hbm>> -> memref<1x1x4096xf32, #tpu.memory_space<hbm>>
          %dma_wait3A_428 = tpu.memref_squeeze %dma_wait3A_427 : memref<1x1x4096xf32, #tpu.memory_space<hbm>> -> memref<1x4096xf32, #tpu.memory_space<hbm>>
          tpu.wait_dma2 semaphore(%arg15 : memref<!tpu.dma_semaphore, #tpu.memory_space<semaphore_mem>>) src(%arg8 : memref<1x4096xf32, #tpu.memory_space<vmem>>) dst(%dma_wait3A_428 : memref<1x4096xf32, #tpu.memory_space<hbm>>)
        } else {
        }
        %parallel_loop3A_280 = arith.constant 0 : i32
        %parallel_loop3A_281 = arith.constant 4096 : i32
        %parallel_loop3A_282 = arith.constant 16 : i32
        scf.for %parallel_loop3A_420 = %parallel_loop3A_280 to %parallel_loop3A_281 step %parallel_loop3A_282  : i32 {
          %parallel_loop3A_421 = arith.constant 128 : i32
          %parallel_loop3A_422 = arith.divsi %parallel_loop3A_420, %parallel_loop3A_421 : i32
          %parallel_loop3A_423 = arith.constant 0 : i32
          %parallel_loop3A_424 = arith.cmpi sgt, %parallel_loop3A_420, %parallel_loop3A_423 : i32
          %parallel_loop3A_425 = arith.extui %parallel_loop3A_424 : i1 to i32
          %parallel_loop3A_426 = arith.constant 0 : i32
          %parallel_loop3A_427 = arith.cmpi slt, %parallel_loop3A_420, %parallel_loop3A_426 : i32
          %parallel_loop3A_428 = arith.extui %parallel_loop3A_427 : i1 to i32
          %parallel_loop3A_429 = arith.subi %parallel_loop3A_425, %parallel_loop3A_428 : i32
          %parallel_loop3A_430 = arith.constant 0 : i32
          %parallel_loop3A_431 = arith.cmpi sgt, %parallel_loop3A_421, %parallel_loop3A_430 : i32
          %parallel_loop3A_432 = arith.extui %parallel_loop3A_431 : i1 to i32
          %parallel_loop3A_433 = arith.constant 0 : i32
          %parallel_loop3A_434 = arith.cmpi slt, %parallel_loop3A_421, %parallel_loop3A_433 : i32
          %parallel_loop3A_435 = arith.extui %parallel_loop3A_434 : i1 to i32
          %parallel_loop3A_436 = arith.subi %parallel_loop3A_432, %parallel_loop3A_435 : i32
          %parallel_loop3A_437 = arith.cmpi ne, %parallel_loop3A_429, %parallel_loop3A_436 : i32
          %parallel_loop3A_438 = arith.remsi %parallel_loop3A_420, %parallel_loop3A_421 : i32
          %parallel_loop3A_439 = arith.constant 0 : i32
          %parallel_loop3A_440 = arith.cmpi ne, %parallel_loop3A_438, %parallel_loop3A_439 : i32
          %parallel_loop3A_441 = arith.andi %parallel_loop3A_437, %parallel_loop3A_440 : i1
          %parallel_loop3A_442 = arith.constant 1 : i32
          %parallel_loop3A_443 = arith.subi %parallel_loop3A_422, %parallel_loop3A_442 : i32
          %parallel_loop3A_444 = arith.select %parallel_loop3A_441, %parallel_loop3A_443, %parallel_loop3A_422 : i32
          %parallel_loop3A_445 = arith.constant 128 : i32
          %parallel_loop3A_446 = arith.remsi %parallel_loop3A_420, %parallel_loop3A_445 : i32
          %parallel_loop3A_447 = arith.index_cast %parallel_loop3A_444 : i32 to index
          %parallel_loop3A_448 = arith.index_cast %parallel_loop3A_446 : i32 to index
          %parallel_loop3A_449 = tpu.vector_load %arg6[%parallel_loop3A_447, %parallel_loop3A_448] {strides = array<i32>} : memref<32x128xi32, #tpu.memory_space<vmem>>, vector<16xi32>,
          %parallel_loop3A_450 = tpu.vector_load_idx %arg5[%broadcast_in_dim3A_2, %parallel_loop3A_449] : memref<1x100000xf32, #tpu.memory_space<vmem>>[vector<16xi32>, vector<16xi32>], vector<16xf32>,
          %parallel_loop3A_451 = arith.constant 0 : i32
          %parallel_loop3A_452 = arith.index_cast %parallel_loop3A_451 : i32 to index
          %parallel_loop3A_453 = arith.index_cast %parallel_loop3A_420 : i32 to index
          %parallel_loop3A_454 = tpu.vector_load %arg8[%parallel_loop3A_452, %parallel_loop3A_453] {strides = array<i32>} : memref<1x4096xf32, #tpu.memory_space<vmem>>, vector<16xf32>,
          tpu.vector_store %arg8[%parallel_loop3A_452, %parallel_loop3A_453], %parallel_loop3A_450 {strides = array<i32>} : memref<1x4096xf32, #tpu.memory_space<vmem>>, vector<16xf32>,
        } {sc.loop_unroll_factor = 16 : i64, sc.parallel_access}
        %mul3A_283 = arith.constant 8 : i32
        %mul3A_284 = arith.muli %scan3A_54, %mul3A_283 : i32
        %add3A_285 = arith.addi %mul3A_284, %add3A_264 : i32
        %dma_start3A_286 = arith.constant 0 : i32
        %dma_start3A_287 = tpu.memref_slice %arg4[%add3A_285, %add3A_11, %dma_start3A_286] : memref<200x64x4096xf32, #tpu.memory_space<hbm>> -> memref<1x1x4096xf32, #tpu.memory_space<hbm>>
        %dma_start3A_288 = tpu.memref_squeeze %dma_start3A_287 : memref<1x1x4096xf32, #tpu.memory_space<hbm>> -> memref<1x4096xf32, #tpu.memory_space<hbm>>
        %dma_start3A_289 = arith.constant 0 : i32
        %dma_start3A_290 = tpu.memref_slice %arg4[%add3A_285, %add3A_11, %dma_start3A_289] : memref<200x64x4096xf32, #tpu.memory_space<hbm>> -> memref<1x1x4096xf32, #tpu.memory_space<hbm>>
        %dma_start3A_291 = tpu.memref_squeeze %dma_start3A_290 : memref<1x1x4096xf32, #tpu.memory_space<hbm>> -> memref<1x4096xf32, #tpu.memory_space<hbm>>
        tpu.enqueue_dma source(%arg8 : memref<1x4096xf32, #tpu.memory_space<vmem>>) target(%dma_start3A_291 : memref<1x4096xf32, #tpu.memory_space<hbm>>) target_semaphore(%arg15 : memref<!tpu.dma_semaphore, #tpu.memory_space<semaphore_mem>>)
        %add3A_292 = arith.constant 2 : i32
        %add3A_293 = arith.addi %add3A_264, %add3A_292 : i32
        %lt3A_294 = arith.constant 8 : i32
        %lt3A_295 = arith.cmpi slt, %add3A_293, %lt3A_294 : i32
        %convert_element_type3A_296 = arith.extui %lt3A_295 : i1 to i32
        %cond3A_297 = arith.constant 0 : i32
        %cond3A_298 = arith.cmpi ne, %convert_element_type3A_296, %cond3A_297 : i32
        scf.if %cond3A_298 {
          %add3A_420 = arith.constant 2 : i32
          %add3A_421 = arith.addi %add3A_264, %add3A_420 : i32
          %rem3A_422 = arith.constant 2 : i32
          %rem3A_423 = arith.remsi %scan3A_54, %rem3A_422 : i32
          %mul3A_424 = arith.constant 32 : i32
          %mul3A_425 = arith.muli %add3A_421, %mul3A_424 : i32
          %dma_start3A_426 = arith.constant 0 : i32
          %dma_start3A_427 = tpu.memref_slice %arg12[%rem3A_423, %mul3A_425, %dma_start3A_426] : memref<2x256x128xi32, #tpu.memory_space<vmem_shared>> -> memref<1x32x128xi32, #tpu.memory_space<vmem_shared>>
          %dma_start3A_428 = tpu.memref_squeeze %dma_start3A_427 : memref<1x32x128xi32, #tpu.memory_space<vmem_shared>> -> memref<32x128xi32, #tpu.memory_space<vmem_shared>>
          %dma_start3A_429 = arith.constant 0 : i32
          %dma_start3A_430 = tpu.memref_slice %arg12[%rem3A_423, %mul3A_425, %dma_start3A_429] : memref<2x256x128xi32, #tpu.memory_space<vmem_shared>> -> memref<1x32x128xi32, #tpu.memory_space<vmem_shared>>
          %dma_start3A_431 = tpu.memref_squeeze %dma_start3A_430 : memref<1x32x128xi32, #tpu.memory_space<vmem_shared>> -> memref<32x128xi32, #tpu.memory_space<vmem_shared>>
          tpu.enqueue_dma source(%dma_start3A_431 : memref<32x128xi32, #tpu.memory_space<vmem_shared>>) target(%arg6 : memref<32x128xi32, #tpu.memory_space<vmem>>) target_semaphore(%arg13 : memref<!tpu.dma_semaphore, #tpu.memory_space<semaphore_mem>>)
        } else {
        }
        %mul3A_299 = arith.constant 2 : i32
        %mul3A_300 = arith.muli %scan3A_84, %mul3A_299 : i32
        %mul3A_301 = arith.constant 4 : i32
        %mul3A_302 = arith.muli %mul3A_300, %mul3A_301 : i32
        %add3A_303 = arith.constant 5 : i32
        %add3A_304 = arith.addi %mul3A_302, %add3A_303 : i32
        %dma_wait3A_305 = arith.constant 0 : i32
        %dma_wait3A_306 = arith.constant 0 : i32
        %dma_wait3A_307 = arith.constant 0 : i32
        %dma_wait3A_308 = tpu.memref_slice %arg12[%dma_wait3A_305, %dma_wait3A_306, %dma_wait3A_307] : memref<2x256x128xi32, #tpu.memory_space<vmem_shared>> -> memref<1x32x128xi32, #tpu.memory_space<vmem_shared>>
        %dma_wait3A_309 = tpu.memref_squeeze %dma_wait3A_308 : memref<1x32x128xi32, #tpu.memory_space<vmem_shared>> -> memref<32x128xi32, #tpu.memory_space<vmem_shared>>
        %dma_wait3A_310 = arith.constant 0 : i32
        %dma_wait3A_311 = arith.constant 0 : i32
        %dma_wait3A_312 = tpu.memref_slice %arg12[%dma_wait3A_305, %dma_wait3A_310, %dma_wait3A_311] : memref<2x256x128xi32, #tpu.memory_space<vmem_shared>> -> memref<1x32x128xi32, #tpu.memory_space<vmem_shared>>
        %dma_wait3A_313 = tpu.memref_squeeze %dma_wait3A_312 : memref<1x32x128xi32, #tpu.memory_space<vmem_shared>> -> memref<32x128xi32, #tpu.memory_space<vmem_shared>>
        tpu.wait_dma2 semaphore(%arg14 : memref<!tpu.dma_semaphore, #tpu.memory_space<semaphore_mem>>) src(%dma_wait3A_313 : memref<32x128xi32, #tpu.memory_space<vmem_shared>>) dst(%arg7 : memref<32x128xi32, #tpu.memory_space<vmem>>)
        %not3A_314 = arith.constant false
        %not3A_315 = arith.constant true
        %not3A_316 = arith.xori %not3A_314, %not3A_315 : i1
        %convert_element_type3A_317 = arith.extui %not3A_316 : i1 to i32
        %cond3A_318 = arith.constant 0 : i32
        %cond3A_319 = arith.cmpi ne, %convert_element_type3A_317, %cond3A_318 : i32
        scf.if %cond3A_319 {
          %dma_wait3A_420 = arith.constant 0 : i32
          %dma_wait3A_421 = arith.constant 0 : i32
          %dma_wait3A_422 = arith.constant 0 : i32
          %dma_wait3A_423 = tpu.memref_slice %arg4[%dma_wait3A_420, %dma_wait3A_421, %dma_wait3A_422] : memref<200x64x4096xf32, #tpu.memory_space<hbm>> -> memref<1x1x4096xf32, #tpu.memory_space<hbm>>
          %dma_wait3A_424 = tpu.memref_squeeze %dma_wait3A_423 : memref<1x1x4096xf32, #tpu.memory_space<hbm>> -> memref<1x4096xf32, #tpu.memory_space<hbm>>
          %dma_wait3A_425 = arith.constant 0 : i32
          %dma_wait3A_426 = arith.constant 0 : i32
          %dma_wait3A_427 = tpu.memref_slice %arg4[%dma_wait3A_420, %dma_wait3A_425, %dma_wait3A_426] : memref<200x64x4096xf32, #tpu.memory_space<hbm>> -> memref<1x1x4096xf32, #tpu.memory_space<hbm>>
          %dma_wait3A_428 = tpu.memref_squeeze %dma_wait3A_427 : memref<1x1x4096xf32, #tpu.memory_space<hbm>> -> memref<1x4096xf32, #tpu.memory_space<hbm>>
          tpu.wait_dma2 semaphore(%arg16 : memref<!tpu.dma_semaphore, #tpu.memory_space<semaphore_mem>>) src(%arg9 : memref<1x4096xf32, #tpu.memory_space<vmem>>) dst(%dma_wait3A_428 : memref<1x4096xf32, #tpu.memory_space<hbm>>)
        } else {
        }
        %parallel_loop3A_320 = arith.constant 0 : i32
        %parallel_loop3A_321 = arith.constant 4096 : i32
        %parallel_loop3A_322 = arith.constant 16 : i32
        scf.for %parallel_loop3A_420 = %parallel_loop3A_320 to %parallel_loop3A_321 step %parallel_loop3A_322  : i32 {
          %parallel_loop3A_421 = arith.constant 128 : i32
          %parallel_loop3A_422 = arith.divsi %parallel_loop3A_420, %parallel_loop3A_421 : i32
          %parallel_loop3A_423 = arith.constant 0 : i32
          %parallel_loop3A_424 = arith.cmpi sgt, %parallel_loop3A_420, %parallel_loop3A_423 : i32
          %parallel_loop3A_425 = arith.extui %parallel_loop3A_424 : i1 to i32
          %parallel_loop3A_426 = arith.constant 0 : i32
          %parallel_loop3A_427 = arith.cmpi slt, %parallel_loop3A_420, %parallel_loop3A_426 : i32
          %parallel_loop3A_428 = arith.extui %parallel_loop3A_427 : i1 to i32
          %parallel_loop3A_429 = arith.subi %parallel_loop3A_425, %parallel_loop3A_428 : i32
          %parallel_loop3A_430 = arith.constant 0 : i32
          %parallel_loop3A_431 = arith.cmpi sgt, %parallel_loop3A_421, %parallel_loop3A_430 : i32
          %parallel_loop3A_432 = arith.extui %parallel_loop3A_431 : i1 to i32
          %parallel_loop3A_433 = arith.constant 0 : i32
          %parallel_loop3A_434 = arith.cmpi slt, %parallel_loop3A_421, %parallel_loop3A_433 : i32
          %parallel_loop3A_435 = arith.extui %parallel_loop3A_434 : i1 to i32
          %parallel_loop3A_436 = arith.subi %parallel_loop3A_432, %parallel_loop3A_435 : i32
          %parallel_loop3A_437 = arith.cmpi ne, %parallel_loop3A_429, %parallel_loop3A_436 : i32
          %parallel_loop3A_438 = arith.remsi %parallel_loop3A_420, %parallel_loop3A_421 : i32
          %parallel_loop3A_439 = arith.constant 0 : i32
          %parallel_loop3A_440 = arith.cmpi ne, %parallel_loop3A_438, %parallel_loop3A_439 : i32
          %parallel_loop3A_441 = arith.andi %parallel_loop3A_437, %parallel_loop3A_440 : i1
          %parallel_loop3A_442 = arith.constant 1 : i32
          %parallel_loop3A_443 = arith.subi %parallel_loop3A_422, %parallel_loop3A_442 : i32
          %parallel_loop3A_444 = arith.select %parallel_loop3A_441, %parallel_loop3A_443, %parallel_loop3A_422 : i32
          %parallel_loop3A_445 = arith.constant 128 : i32
          %parallel_loop3A_446 = arith.remsi %parallel_loop3A_420, %parallel_loop3A_445 : i32
          %parallel_loop3A_447 = arith.index_cast %parallel_loop3A_444 : i32 to index
          %parallel_loop3A_448 = arith.index_cast %parallel_loop3A_446 : i32 to index
          %parallel_loop3A_449 = tpu.vector_load %arg7[%parallel_loop3A_447, %parallel_loop3A_448] {strides = array<i32>} : memref<32x128xi32, #tpu.memory_space<vmem>>, vector<16xi32>,
          %parallel_loop3A_450 = tpu.vector_load_idx %arg5[%broadcast_in_dim3A_2, %parallel_loop3A_449] : memref<1x100000xf32, #tpu.memory_space<vmem>>[vector<16xi32>, vector<16xi32>], vector<16xf32>,
          %parallel_loop3A_451 = arith.constant 0 : i32
          %parallel_loop3A_452 = arith.index_cast %parallel_loop3A_451 : i32 to index
          %parallel_loop3A_453 = arith.index_cast %parallel_loop3A_420 : i32 to index
          %parallel_loop3A_454 = tpu.vector_load %arg9[%parallel_loop3A_452, %parallel_loop3A_453] {strides = array<i32>} : memref<1x4096xf32, #tpu.memory_space<vmem>>, vector<16xf32>,
          tpu.vector_store %arg9[%parallel_loop3A_452, %parallel_loop3A_453], %parallel_loop3A_450 {strides = array<i32>} : memref<1x4096xf32, #tpu.memory_space<vmem>>, vector<16xf32>,
        } {sc.loop_unroll_factor = 16 : i64, sc.parallel_access}
        %mul3A_323 = arith.constant 8 : i32
        %mul3A_324 = arith.muli %scan3A_54, %mul3A_323 : i32
        %add3A_325 = arith.addi %mul3A_324, %add3A_304 : i32
        %dma_start3A_326 = arith.constant 0 : i32
        %dma_start3A_327 = tpu.memref_slice %arg4[%add3A_325, %add3A_11, %dma_start3A_326] : memref<200x64x4096xf32, #tpu.memory_space<hbm>> -> memref<1x1x4096xf32, #tpu.memory_space<hbm>>
        %dma_start3A_328 = tpu.memref_squeeze %dma_start3A_327 : memref<1x1x4096xf32, #tpu.memory_space<hbm>> -> memref<1x4096xf32, #tpu.memory_space<hbm>>
        %dma_start3A_329 = arith.constant 0 : i32
        %dma_start3A_330 = tpu.memref_slice %arg4[%add3A_325, %add3A_11, %dma_start3A_329] : memref<200x64x4096xf32, #tpu.memory_space<hbm>> -> memref<1x1x4096xf32, #tpu.memory_space<hbm>>
        %dma_start3A_331 = tpu.memref_squeeze %dma_start3A_330 : memref<1x1x4096xf32, #tpu.memory_space<hbm>> -> memref<1x4096xf32, #tpu.memory_space<hbm>>
        tpu.enqueue_dma source(%arg9 : memref<1x4096xf32, #tpu.memory_space<vmem>>) target(%dma_start3A_331 : memref<1x4096xf32, #tpu.memory_space<hbm>>) target_semaphore(%arg16 : memref<!tpu.dma_semaphore, #tpu.memory_space<semaphore_mem>>)
        %add3A_332 = arith.constant 2 : i32
        %add3A_333 = arith.addi %add3A_304, %add3A_332 : i32
        %lt3A_334 = arith.constant 8 : i32
        %lt3A_335 = arith.cmpi slt, %add3A_333, %lt3A_334 : i32
        %convert_element_type3A_336 = arith.extui %lt3A_335 : i1 to i32
        %cond3A_337 = arith.constant 0 : i32
        %cond3A_338 = arith.cmpi ne, %convert_element_type3A_336, %cond3A_337 : i32
        scf.if %cond3A_338 {
          %add3A_420 = arith.constant 2 : i32
          %add3A_421 = arith.addi %add3A_304, %add3A_420 : i32
          %rem3A_422 = arith.constant 2 : i32
          %rem3A_423 = arith.remsi %scan3A_54, %rem3A_422 : i32
          %mul3A_424 = arith.constant 32 : i32
          %mul3A_425 = arith.muli %add3A_421, %mul3A_424 : i32
          %dma_start3A_426 = arith.constant 0 : i32
          %dma_start3A_427 = tpu.memref_slice %arg12[%rem3A_423, %mul3A_425, %dma_start3A_426] : memref<2x256x128xi32, #tpu.memory_space<vmem_shared>> -> memref<1x32x128xi32, #tpu.memory_space<vmem_shared>>
          %dma_start3A_428 = tpu.memref_squeeze %dma_start3A_427 : memref<1x32x128xi32, #tpu.memory_space<vmem_shared>> -> memref<32x128xi32, #tpu.memory_space<vmem_shared>>
          %dma_start3A_429 = arith.constant 0 : i32
          %dma_start3A_430 = tpu.memref_slice %arg12[%rem3A_423, %mul3A_425, %dma_start3A_429] : memref<2x256x128xi32, #tpu.memory_space<vmem_shared>> -> memref<1x32x128xi32, #tpu.memory_space<vmem_shared>>
          %dma_start3A_431 = tpu.memref_squeeze %dma_start3A_430 : memref<1x32x128xi32, #tpu.memory_space<vmem_shared>> -> memref<32x128xi32, #tpu.memory_space<vmem_shared>>
          tpu.enqueue_dma source(%dma_start3A_431 : memref<32x128xi32, #tpu.memory_space<vmem_shared>>) target(%arg7 : memref<32x128xi32, #tpu.memory_space<vmem>>) target_semaphore(%arg14 : memref<!tpu.dma_semaphore, #tpu.memory_space<semaphore_mem>>)
        } else {
        }
        %mul3A_339 = arith.constant 2 : i32
        %mul3A_340 = arith.muli %scan3A_84, %mul3A_339 : i32
        %mul3A_341 = arith.constant 4 : i32
        %mul3A_342 = arith.muli %mul3A_340, %mul3A_341 : i32
        %add3A_343 = arith.constant 6 : i32
        %add3A_344 = arith.addi %mul3A_342, %add3A_343 : i32
        %dma_wait3A_345 = arith.constant 0 : i32
        %dma_wait3A_346 = arith.constant 0 : i32
        %dma_wait3A_347 = arith.constant 0 : i32
        %dma_wait3A_348 = tpu.memref_slice %arg12[%dma_wait3A_345, %dma_wait3A_346, %dma_wait3A_347] : memref<2x256x128xi32, #tpu.memory_space<vmem_shared>> -> memref<1x32x128xi32, #tpu.memory_space<vmem_shared>>
        %dma_wait3A_349 = tpu.memref_squeeze %dma_wait3A_348 : memref<1x32x128xi32, #tpu.memory_space<vmem_shared>> -> memref<32x128xi32, #tpu.memory_space<vmem_shared>>
        %dma_wait3A_350 = arith.constant 0 : i32
        %dma_wait3A_351 = arith.constant 0 : i32
        %dma_wait3A_352 = tpu.memref_slice %arg12[%dma_wait3A_345, %dma_wait3A_350, %dma_wait3A_351] : memref<2x256x128xi32, #tpu.memory_space<vmem_shared>> -> memref<1x32x128xi32, #tpu.memory_space<vmem_shared>>
        %dma_wait3A_353 = tpu.memref_squeeze %dma_wait3A_352 : memref<1x32x128xi32, #tpu.memory_space<vmem_shared>> -> memref<32x128xi32, #tpu.memory_space<vmem_shared>>
        tpu.wait_dma2 semaphore(%arg13 : memref<!tpu.dma_semaphore, #tpu.memory_space<semaphore_mem>>) src(%dma_wait3A_353 : memref<32x128xi32, #tpu.memory_space<vmem_shared>>) dst(%arg6 : memref<32x128xi32, #tpu.memory_space<vmem>>)
        %not3A_354 = arith.constant false
        %not3A_355 = arith.constant true
        %not3A_356 = arith.xori %not3A_354, %not3A_355 : i1
        %convert_element_type3A_357 = arith.extui %not3A_356 : i1 to i32
        %cond3A_358 = arith.constant 0 : i32
        %cond3A_359 = arith.cmpi ne, %convert_element_type3A_357, %cond3A_358 : i32
        scf.if %cond3A_359 {
          %dma_wait3A_420 = arith.constant 0 : i32
          %dma_wait3A_421 = arith.constant 0 : i32
          %dma_wait3A_422 = arith.constant 0 : i32
          %dma_wait3A_423 = tpu.memref_slice %arg4[%dma_wait3A_420, %dma_wait3A_421, %dma_wait3A_422] : memref<200x64x4096xf32, #tpu.memory_space<hbm>> -> memref<1x1x4096xf32, #tpu.memory_space<hbm>>
          %dma_wait3A_424 = tpu.memref_squeeze %dma_wait3A_423 : memref<1x1x4096xf32, #tpu.memory_space<hbm>> -> memref<1x4096xf32, #tpu.memory_space<hbm>>
          %dma_wait3A_425 = arith.constant 0 : i32
          %dma_wait3A_426 = arith.constant 0 : i32
          %dma_wait3A_427 = tpu.memref_slice %arg4[%dma_wait3A_420, %dma_wait3A_425, %dma_wait3A_426] : memref<200x64x4096xf32, #tpu.memory_space<hbm>> -> memref<1x1x4096xf32, #tpu.memory_space<hbm>>
          %dma_wait3A_428 = tpu.memref_squeeze %dma_wait3A_427 : memref<1x1x4096xf32, #tpu.memory_space<hbm>> -> memref<1x4096xf32, #tpu.memory_space<hbm>>
          tpu.wait_dma2 semaphore(%arg17 : memref<!tpu.dma_semaphore, #tpu.memory_space<semaphore_mem>>) src(%arg10 : memref<1x4096xf32, #tpu.memory_space<vmem>>) dst(%dma_wait3A_428 : memref<1x4096xf32, #tpu.memory_space<hbm>>)
        } else {
        }
        %parallel_loop3A_360 = arith.constant 0 : i32
        %parallel_loop3A_361 = arith.constant 4096 : i32
        %parallel_loop3A_362 = arith.constant 16 : i32
        scf.for %parallel_loop3A_420 = %parallel_loop3A_360 to %parallel_loop3A_361 step %parallel_loop3A_362  : i32 {
          %parallel_loop3A_421 = arith.constant 128 : i32
          %parallel_loop3A_422 = arith.divsi %parallel_loop3A_420, %parallel_loop3A_421 : i32
          %parallel_loop3A_423 = arith.constant 0 : i32
          %parallel_loop3A_424 = arith.cmpi sgt, %parallel_loop3A_420, %parallel_loop3A_423 : i32
          %parallel_loop3A_425 = arith.extui %parallel_loop3A_424 : i1 to i32
          %parallel_loop3A_426 = arith.constant 0 : i32
          %parallel_loop3A_427 = arith.cmpi slt, %parallel_loop3A_420, %parallel_loop3A_426 : i32
          %parallel_loop3A_428 = arith.extui %parallel_loop3A_427 : i1 to i32
          %parallel_loop3A_429 = arith.subi %parallel_loop3A_425, %parallel_loop3A_428 : i32
          %parallel_loop3A_430 = arith.constant 0 : i32
          %parallel_loop3A_431 = arith.cmpi sgt, %parallel_loop3A_421, %parallel_loop3A_430 : i32
          %parallel_loop3A_432 = arith.extui %parallel_loop3A_431 : i1 to i32
          %parallel_loop3A_433 = arith.constant 0 : i32
          %parallel_loop3A_434 = arith.cmpi slt, %parallel_loop3A_421, %parallel_loop3A_433 : i32
          %parallel_loop3A_435 = arith.extui %parallel_loop3A_434 : i1 to i32
          %parallel_loop3A_436 = arith.subi %parallel_loop3A_432, %parallel_loop3A_435 : i32
          %parallel_loop3A_437 = arith.cmpi ne, %parallel_loop3A_429, %parallel_loop3A_436 : i32
          %parallel_loop3A_438 = arith.remsi %parallel_loop3A_420, %parallel_loop3A_421 : i32
          %parallel_loop3A_439 = arith.constant 0 : i32
          %parallel_loop3A_440 = arith.cmpi ne, %parallel_loop3A_438, %parallel_loop3A_439 : i32
          %parallel_loop3A_441 = arith.andi %parallel_loop3A_437, %parallel_loop3A_440 : i1
          %parallel_loop3A_442 = arith.constant 1 : i32
          %parallel_loop3A_443 = arith.subi %parallel_loop3A_422, %parallel_loop3A_442 : i32
          %parallel_loop3A_444 = arith.select %parallel_loop3A_441, %parallel_loop3A_443, %parallel_loop3A_422 : i32
          %parallel_loop3A_445 = arith.constant 128 : i32
          %parallel_loop3A_446 = arith.remsi %parallel_loop3A_420, %parallel_loop3A_445 : i32
          %parallel_loop3A_447 = arith.index_cast %parallel_loop3A_444 : i32 to index
          %parallel_loop3A_448 = arith.index_cast %parallel_loop3A_446 : i32 to index
          %parallel_loop3A_449 = tpu.vector_load %arg6[%parallel_loop3A_447, %parallel_loop3A_448] {strides = array<i32>} : memref<32x128xi32, #tpu.memory_space<vmem>>, vector<16xi32>,
          %parallel_loop3A_450 = tpu.vector_load_idx %arg5[%broadcast_in_dim3A_2, %parallel_loop3A_449] : memref<1x100000xf32, #tpu.memory_space<vmem>>[vector<16xi32>, vector<16xi32>], vector<16xf32>,
          %parallel_loop3A_451 = arith.constant 0 : i32
          %parallel_loop3A_452 = arith.index_cast %parallel_loop3A_451 : i32 to index
          %parallel_loop3A_453 = arith.index_cast %parallel_loop3A_420 : i32 to index
          %parallel_loop3A_454 = tpu.vector_load %arg10[%parallel_loop3A_452, %parallel_loop3A_453] {strides = array<i32>} : memref<1x4096xf32, #tpu.memory_space<vmem>>, vector<16xf32>,
          tpu.vector_store %arg10[%parallel_loop3A_452, %parallel_loop3A_453], %parallel_loop3A_450 {strides = array<i32>} : memref<1x4096xf32, #tpu.memory_space<vmem>>, vector<16xf32>,
        } {sc.loop_unroll_factor = 16 : i64, sc.parallel_access}
        %mul3A_363 = arith.constant 8 : i32
        %mul3A_364 = arith.muli %scan3A_54, %mul3A_363 : i32
        %add3A_365 = arith.addi %mul3A_364, %add3A_344 : i32
        %dma_start3A_366 = arith.constant 0 : i32
        %dma_start3A_367 = tpu.memref_slice %arg4[%add3A_365, %add3A_11, %dma_start3A_366] : memref<200x64x4096xf32, #tpu.memory_space<hbm>> -> memref<1x1x4096xf32, #tpu.memory_space<hbm>>
        %dma_start3A_368 = tpu.memref_squeeze %dma_start3A_367 : memref<1x1x4096xf32, #tpu.memory_space<hbm>> -> memref<1x4096xf32, #tpu.memory_space<hbm>>
        %dma_start3A_369 = arith.constant 0 : i32
        %dma_start3A_370 = tpu.memref_slice %arg4[%add3A_365, %add3A_11, %dma_start3A_369] : memref<200x64x4096xf32, #tpu.memory_space<hbm>> -> memref<1x1x4096xf32, #tpu.memory_space<hbm>>
        %dma_start3A_371 = tpu.memref_squeeze %dma_start3A_370 : memref<1x1x4096xf32, #tpu.memory_space<hbm>> -> memref<1x4096xf32, #tpu.memory_space<hbm>>
        tpu.enqueue_dma source(%arg10 : memref<1x4096xf32, #tpu.memory_space<vmem>>) target(%dma_start3A_371 : memref<1x4096xf32, #tpu.memory_space<hbm>>) target_semaphore(%arg17 : memref<!tpu.dma_semaphore, #tpu.memory_space<semaphore_mem>>)
        %add3A_372 = arith.constant 2 : i32
        %add3A_373 = arith.addi %add3A_344, %add3A_372 : i32
        %lt3A_374 = arith.constant 8 : i32
        %lt3A_375 = arith.cmpi slt, %add3A_373, %lt3A_374 : i32
        %convert_element_type3A_376 = arith.extui %lt3A_375 : i1 to i32
        %cond3A_377 = arith.constant 0 : i32
        %cond3A_378 = arith.cmpi ne, %convert_element_type3A_376, %cond3A_377 : i32
        scf.if %cond3A_378 {
          %add3A_420 = arith.constant 2 : i32
          %add3A_421 = arith.addi %add3A_344, %add3A_420 : i32
          %rem3A_422 = arith.constant 2 : i32
          %rem3A_423 = arith.remsi %scan3A_54, %rem3A_422 : i32
          %mul3A_424 = arith.constant 32 : i32
          %mul3A_425 = arith.muli %add3A_421, %mul3A_424 : i32
          %dma_start3A_426 = arith.constant 0 : i32
          %dma_start3A_427 = tpu.memref_slice %arg12[%rem3A_423, %mul3A_425, %dma_start3A_426] : memref<2x256x128xi32, #tpu.memory_space<vmem_shared>> -> memref<1x32x128xi32, #tpu.memory_space<vmem_shared>>
          %dma_start3A_428 = tpu.memref_squeeze %dma_start3A_427 : memref<1x32x128xi32, #tpu.memory_space<vmem_shared>> -> memref<32x128xi32, #tpu.memory_space<vmem_shared>>
          %dma_start3A_429 = arith.constant 0 : i32
          %dma_start3A_430 = tpu.memref_slice %arg12[%rem3A_423, %mul3A_425, %dma_start3A_429] : memref<2x256x128xi32, #tpu.memory_space<vmem_shared>> -> memref<1x32x128xi32, #tpu.memory_space<vmem_shared>>
          %dma_start3A_431 = tpu.memref_squeeze %dma_start3A_430 : memref<1x32x128xi32, #tpu.memory_space<vmem_shared>> -> memref<32x128xi32, #tpu.memory_space<vmem_shared>>
          tpu.enqueue_dma source(%dma_start3A_431 : memref<32x128xi32, #tpu.memory_space<vmem_shared>>) target(%arg6 : memref<32x128xi32, #tpu.memory_space<vmem>>) target_semaphore(%arg13 : memref<!tpu.dma_semaphore, #tpu.memory_space<semaphore_mem>>)
        } else {
        }
        %mul3A_379 = arith.constant 2 : i32
        %mul3A_380 = arith.muli %scan3A_84, %mul3A_379 : i32
        %mul3A_381 = arith.constant 4 : i32
        %mul3A_382 = arith.muli %mul3A_380, %mul3A_381 : i32
        %add3A_383 = arith.constant 7 : i32
        %add3A_384 = arith.addi %mul3A_382, %add3A_383 : i32
        %dma_wait3A_385 = arith.constant 0 : i32
        %dma_wait3A_386 = arith.constant 0 : i32
        %dma_wait3A_387 = arith.constant 0 : i32
        %dma_wait3A_388 = tpu.memref_slice %arg12[%dma_wait3A_385, %dma_wait3A_386, %dma_wait3A_387] : memref<2x256x128xi32, #tpu.memory_space<vmem_shared>> -> memref<1x32x128xi32, #tpu.memory_space<vmem_shared>>
        %dma_wait3A_389 = tpu.memref_squeeze %dma_wait3A_388 : memref<1x32x128xi32, #tpu.memory_space<vmem_shared>> -> memref<32x128xi32, #tpu.memory_space<vmem_shared>>
        %dma_wait3A_390 = arith.constant 0 : i32
        %dma_wait3A_391 = arith.constant 0 : i32
        %dma_wait3A_392 = tpu.memref_slice %arg12[%dma_wait3A_385, %dma_wait3A_390, %dma_wait3A_391] : memref<2x256x128xi32, #tpu.memory_space<vmem_shared>> -> memref<1x32x128xi32, #tpu.memory_space<vmem_shared>>
        %dma_wait3A_393 = tpu.memref_squeeze %dma_wait3A_392 : memref<1x32x128xi32, #tpu.memory_space<vmem_shared>> -> memref<32x128xi32, #tpu.memory_space<vmem_shared>>
        tpu.wait_dma2 semaphore(%arg14 : memref<!tpu.dma_semaphore, #tpu.memory_space<semaphore_mem>>) src(%dma_wait3A_393 : memref<32x128xi32, #tpu.memory_space<vmem_shared>>) dst(%arg7 : memref<32x128xi32, #tpu.memory_space<vmem>>)
        %not3A_394 = arith.constant false
        %not3A_395 = arith.constant true
        %not3A_396 = arith.xori %not3A_394, %not3A_395 : i1
        %convert_element_type3A_397 = arith.extui %not3A_396 : i1 to i32
        %cond3A_398 = arith.constant 0 : i32
        %cond3A_399 = arith.cmpi ne, %convert_element_type3A_397, %cond3A_398 : i32
        scf.if %cond3A_399 {
          %dma_wait3A_420 = arith.constant 0 : i32
          %dma_wait3A_421 = arith.constant 0 : i32
          %dma_wait3A_422 = arith.constant 0 : i32
          %dma_wait3A_423 = tpu.memref_slice %arg4[%dma_wait3A_420, %dma_wait3A_421, %dma_wait3A_422] : memref<200x64x4096xf32, #tpu.memory_space<hbm>> -> memref<1x1x4096xf32, #tpu.memory_space<hbm>>
          %dma_wait3A_424 = tpu.memref_squeeze %dma_wait3A_423 : memref<1x1x4096xf32, #tpu.memory_space<hbm>> -> memref<1x4096xf32, #tpu.memory_space<hbm>>
          %dma_wait3A_425 = arith.constant 0 : i32
          %dma_wait3A_426 = arith.constant 0 : i32
          %dma_wait3A_427 = tpu.memref_slice %arg4[%dma_wait3A_420, %dma_wait3A_425, %dma_wait3A_426] : memref<200x64x4096xf32, #tpu.memory_space<hbm>> -> memref<1x1x4096xf32, #tpu.memory_space<hbm>>
          %dma_wait3A_428 = tpu.memref_squeeze %dma_wait3A_427 : memref<1x1x4096xf32, #tpu.memory_space<hbm>> -> memref<1x4096xf32, #tpu.memory_space<hbm>>
          tpu.wait_dma2 semaphore(%arg18 : memref<!tpu.dma_semaphore, #tpu.memory_space<semaphore_mem>>) src(%arg11 : memref<1x4096xf32, #tpu.memory_space<vmem>>) dst(%dma_wait3A_428 : memref<1x4096xf32, #tpu.memory_space<hbm>>)
        } else {
        }
        %parallel_loop3A_400 = arith.constant 0 : i32
        %parallel_loop3A_401 = arith.constant 4096 : i32
        %parallel_loop3A_402 = arith.constant 16 : i32
        scf.for %parallel_loop3A_420 = %parallel_loop3A_400 to %parallel_loop3A_401 step %parallel_loop3A_402  : i32 {
          %parallel_loop3A_421 = arith.constant 128 : i32
          %parallel_loop3A_422 = arith.divsi %parallel_loop3A_420, %parallel_loop3A_421 : i32
          %parallel_loop3A_423 = arith.constant 0 : i32
          %parallel_loop3A_424 = arith.cmpi sgt, %parallel_loop3A_420, %parallel_loop3A_423 : i32
          %parallel_loop3A_425 = arith.extui %parallel_loop3A_424 : i1 to i32
          %parallel_loop3A_426 = arith.constant 0 : i32
          %parallel_loop3A_427 = arith.cmpi slt, %parallel_loop3A_420, %parallel_loop3A_426 : i32
          %parallel_loop3A_428 = arith.extui %parallel_loop3A_427 : i1 to i32
          %parallel_loop3A_429 = arith.subi %parallel_loop3A_425, %parallel_loop3A_428 : i32
          %parallel_loop3A_430 = arith.constant 0 : i32
          %parallel_loop3A_431 = arith.cmpi sgt, %parallel_loop3A_421, %parallel_loop3A_430 : i32
          %parallel_loop3A_432 = arith.extui %parallel_loop3A_431 : i1 to i32
          %parallel_loop3A_433 = arith.constant 0 : i32
          %parallel_loop3A_434 = arith.cmpi slt, %parallel_loop3A_421, %parallel_loop3A_433 : i32
          %parallel_loop3A_435 = arith.extui %parallel_loop3A_434 : i1 to i32
          %parallel_loop3A_436 = arith.subi %parallel_loop3A_432, %parallel_loop3A_435 : i32
          %parallel_loop3A_437 = arith.cmpi ne, %parallel_loop3A_429, %parallel_loop3A_436 : i32
          %parallel_loop3A_438 = arith.remsi %parallel_loop3A_420, %parallel_loop3A_421 : i32
          %parallel_loop3A_439 = arith.constant 0 : i32
          %parallel_loop3A_440 = arith.cmpi ne, %parallel_loop3A_438, %parallel_loop3A_439 : i32
          %parallel_loop3A_441 = arith.andi %parallel_loop3A_437, %parallel_loop3A_440 : i1
          %parallel_loop3A_442 = arith.constant 1 : i32
          %parallel_loop3A_443 = arith.subi %parallel_loop3A_422, %parallel_loop3A_442 : i32
          %parallel_loop3A_444 = arith.select %parallel_loop3A_441, %parallel_loop3A_443, %parallel_loop3A_422 : i32
          %parallel_loop3A_445 = arith.constant 128 : i32
          %parallel_loop3A_446 = arith.remsi %parallel_loop3A_420, %parallel_loop3A_445 : i32
          %parallel_loop3A_447 = arith.index_cast %parallel_loop3A_444 : i32 to index
          %parallel_loop3A_448 = arith.index_cast %parallel_loop3A_446 : i32 to index
          %parallel_loop3A_449 = tpu.vector_load %arg7[%parallel_loop3A_447, %parallel_loop3A_448] {strides = array<i32>} : memref<32x128xi32, #tpu.memory_space<vmem>>, vector<16xi32>,
          %parallel_loop3A_450 = tpu.vector_load_idx %arg5[%broadcast_in_dim3A_2, %parallel_loop3A_449] : memref<1x100000xf32, #tpu.memory_space<vmem>>[vector<16xi32>, vector<16xi32>], vector<16xf32>,
          %parallel_loop3A_451 = arith.constant 0 : i32
          %parallel_loop3A_452 = arith.index_cast %parallel_loop3A_451 : i32 to index
          %parallel_loop3A_453 = arith.index_cast %parallel_loop3A_420 : i32 to index
          %parallel_loop3A_454 = tpu.vector_load %arg11[%parallel_loop3A_452, %parallel_loop3A_453] {strides = array<i32>} : memref<1x4096xf32, #tpu.memory_space<vmem>>, vector<16xf32>,
          tpu.vector_store %arg11[%parallel_loop3A_452, %parallel_loop3A_453], %parallel_loop3A_450 {strides = array<i32>} : memref<1x4096xf32, #tpu.memory_space<vmem>>, vector<16xf32>,
        } {sc.loop_unroll_factor = 16 : i64, sc.parallel_access}
        %mul3A_403 = arith.constant 8 : i32
        %mul3A_404 = arith.muli %scan3A_54, %mul3A_403 : i32
        %add3A_405 = arith.addi %mul3A_404, %add3A_384 : i32
        %dma_start3A_406 = arith.constant 0 : i32
        %dma_start3A_407 = tpu.memref_slice %arg4[%add3A_405, %add3A_11, %dma_start3A_406] : memref<200x64x4096xf32, #tpu.memory_space<hbm>> -> memref<1x1x4096xf32, #tpu.memory_space<hbm>>
        %dma_start3A_408 = tpu.memref_squeeze %dma_start3A_407 : memref<1x1x4096xf32, #tpu.memory_space<hbm>> -> memref<1x4096xf32, #tpu.memory_space<hbm>>
        %dma_start3A_409 = arith.constant 0 : i32
        %dma_start3A_410 = tpu.memref_slice %arg4[%add3A_405, %add3A_11, %dma_start3A_409] : memref<200x64x4096xf32, #tpu.memory_space<hbm>> -> memref<1x1x4096xf32, #tpu.memory_space<hbm>>
        %dma_start3A_411 = tpu.memref_squeeze %dma_start3A_410 : memref<1x1x4096xf32, #tpu.memory_space<hbm>> -> memref<1x4096xf32, #tpu.memory_space<hbm>>
        tpu.enqueue_dma source(%arg11 : memref<1x4096xf32, #tpu.memory_space<vmem>>) target(%dma_start3A_411 : memref<1x4096xf32, #tpu.memory_space<hbm>>) target_semaphore(%arg18 : memref<!tpu.dma_semaphore, #tpu.memory_space<semaphore_mem>>)
        %add3A_412 = arith.constant 2 : i32
        %add3A_413 = arith.addi %add3A_384, %add3A_412 : i32
        %lt3A_414 = arith.constant 8 : i32
        %lt3A_415 = arith.cmpi slt, %add3A_413, %lt3A_414 : i32
        %convert_element_type3A_416 = arith.extui %lt3A_415 : i1 to i32
        %cond3A_417 = arith.constant 0 : i32
        %cond3A_418 = arith.cmpi ne, %convert_element_type3A_416, %cond3A_417 : i32
        scf.if %cond3A_418 {
          %add3A_420 = arith.constant 2 : i32
          %add3A_421 = arith.addi %add3A_384, %add3A_420 : i32
          %rem3A_422 = arith.constant 2 : i32
          %rem3A_423 = arith.remsi %scan3A_54, %rem3A_422 : i32
          %mul3A_424 = arith.constant 32 : i32
          %mul3A_425 = arith.muli %add3A_421, %mul3A_424 : i32
          %dma_start3A_426 = arith.constant 0 : i32
          %dma_start3A_427 = tpu.memref_slice %arg12[%rem3A_423, %mul3A_425, %dma_start3A_426] : memref<2x256x128xi32, #tpu.memory_space<vmem_shared>> -> memref<1x32x128xi32, #tpu.memory_space<vmem_shared>>
          %dma_start3A_428 = tpu.memref_squeeze %dma_start3A_427 : memref<1x32x128xi32, #tpu.memory_space<vmem_shared>> -> memref<32x128xi32, #tpu.memory_space<vmem_shared>>
          %dma_start3A_429 = arith.constant 0 : i32
          %dma_start3A_430 = tpu.memref_slice %arg12[%rem3A_423, %mul3A_425, %dma_start3A_429] : memref<2x256x128xi32, #tpu.memory_space<vmem_shared>> -> memref<1x32x128xi32, #tpu.memory_space<vmem_shared>>
          %dma_start3A_431 = tpu.memref_squeeze %dma_start3A_430 : memref<1x32x128xi32, #tpu.memory_space<vmem_shared>> -> memref<32x128xi32, #tpu.memory_space<vmem_shared>>
          tpu.enqueue_dma source(%dma_start3A_431 : memref<32x128xi32, #tpu.memory_space<vmem_shared>>) target(%arg7 : memref<32x128xi32, #tpu.memory_space<vmem>>) target_semaphore(%arg14 : memref<!tpu.dma_semaphore, #tpu.memory_space<semaphore_mem>>)
        } else {
        }
        %scan3A_419 = arith.constant 1 : i32
      }
      %scan3A_18 = arith.constant 25 : i32
      %dma_wait3A = arith.constant 0 : i32
      %dma_wait3A_19 = arith.constant 0 : i32
      %dma_wait3A_20 = arith.constant 0 : i32
      %dma_wait3A_21 = tpu.memref_slice %arg4[%dma_wait3A, %dma_wait3A_19, %dma_wait3A_20] : memref<200x64x4096xf32, #tpu.memory_space<hbm>> -> memref<1x1x4096xf32, #tpu.memory_space<hbm>>
      %dma_wait3A_22 = tpu.memref_squeeze %dma_wait3A_21 : memref<1x1x4096xf32, #tpu.memory_space<hbm>> -> memref<1x4096xf32, #tpu.memory_space<hbm>>
      %dma_wait3A_23 = arith.constant 0 : i32
      %dma_wait3A_24 = arith.constant 0 : i32
      %dma_wait3A_25 = tpu.memref_slice %arg4[%dma_wait3A, %dma_wait3A_23, %dma_wait3A_24] : memref<200x64x4096xf32, #tpu.memory_space<hbm>> -> memref<1x1x4096xf32, #tpu.memory_space<hbm>>
      %dma_wait3A_26 = tpu.memref_squeeze %dma_wait3A_25 : memref<1x1x4096xf32, #tpu.memory_space<hbm>> -> memref<1x4096xf32, #tpu.memory_space<hbm>>
      tpu.wait_dma2 semaphore(%arg15 : memref<!tpu.dma_semaphore, #tpu.memory_space<semaphore_mem>>) src(%arg8 : memref<1x4096xf32, #tpu.memory_space<vmem>>) dst(%dma_wait3A_26 : memref<1x4096xf32, #tpu.memory_space<hbm>>)
      %dma_wait3A_27 = arith.constant 0 : i32
      %dma_wait3A_28 = arith.constant 0 : i32
      %dma_wait3A_29 = arith.constant 0 : i32
      %dma_wait3A_30 = tpu.memref_slice %arg4[%dma_wait3A_27, %dma_wait3A_28, %dma_wait3A_29] : memref<200x64x4096xf32, #tpu.memory_space<hbm>> -> memref<1x1x4096xf32, #tpu.memory_space<hbm>>
      %dma_wait3A_31 = tpu.memref_squeeze %dma_wait3A_30 : memref<1x1x4096xf32, #tpu.memory_space<hbm>> -> memref<1x4096xf32, #tpu.memory_space<hbm>>
      %dma_wait3A_32 = arith.constant 0 : i32
      %dma_wait3A_33 = arith.constant 0 : i32
      %dma_wait3A_34 = tpu.memref_slice %arg4[%dma_wait3A_27, %dma_wait3A_32, %dma_wait3A_33] : memref<200x64x4096xf32, #tpu.memory_space<hbm>> -> memref<1x1x4096xf32, #tpu.memory_space<hbm>>
      %dma_wait3A_35 = tpu.memref_squeeze %dma_wait3A_34 : memref<1x1x4096xf32, #tpu.memory_space<hbm>> -> memref<1x4096xf32, #tpu.memory_space<hbm>>
      tpu.wait_dma2 semaphore(%arg16 : memref<!tpu.dma_semaphore, #tpu.memory_space<semaphore_mem>>) src(%arg9 : memref<1x4096xf32, #tpu.memory_space<vmem>>) dst(%dma_wait3A_35 : memref<1x4096xf32, #tpu.memory_space<hbm>>)
      %dma_wait3A_36 = arith.constant 0 : i32
      %dma_wait3A_37 = arith.constant 0 : i32
      %dma_wait3A_38 = arith.constant 0 : i32
      %dma_wait3A_39 = tpu.memref_slice %arg4[%dma_wait3A_36, %dma_wait3A_37, %dma_wait3A_38] : memref<200x64x4096xf32, #tpu.memory_space<hbm>> -> memref<1x1x4096xf32, #tpu.memory_space<hbm>>
      %dma_wait3A_40 = tpu.memref_squeeze %dma_wait3A_39 : memref<1x1x4096xf32, #tpu.memory_space<hbm>> -> memref<1x4096xf32, #tpu.memory_space<hbm>>
      %dma_wait3A_41 = arith.constant 0 : i32
      %dma_wait3A_42 = arith.constant 0 : i32
      %dma_wait3A_43 = tpu.memref_slice %arg4[%dma_wait3A_36, %dma_wait3A_41, %dma_wait3A_42] : memref<200x64x4096xf32, #tpu.memory_space<hbm>> -> memref<1x1x4096xf32, #tpu.memory_space<hbm>>
      %dma_wait3A_44 = tpu.memref_squeeze %dma_wait3A_43 : memref<1x1x4096xf32, #tpu.memory_space<hbm>> -> memref<1x4096xf32, #tpu.memory_space<hbm>>
      tpu.wait_dma2 semaphore(%arg17 : memref<!tpu.dma_semaphore, #tpu.memory_space<semaphore_mem>>) src(%arg10 : memref<1x4096xf32, #tpu.memory_space<vmem>>) dst(%dma_wait3A_44 : memref<1x4096xf32, #tpu.memory_space<hbm>>)
      %dma_wait3A_45 = arith.constant 0 : i32
      %dma_wait3A_46 = arith.constant 0 : i32
      %dma_wait3A_47 = arith.constant 0 : i32
      %dma_wait3A_48 = tpu.memref_slice %arg4[%dma_wait3A_45, %dma_wait3A_46, %dma_wait3A_47] : memref<200x64x4096xf32, #tpu.memory_space<hbm>> -> memref<1x1x4096xf32, #tpu.memory_space<hbm>>
      %dma_wait3A_49 = tpu.memref_squeeze %dma_wait3A_48 : memref<1x1x4096xf32, #tpu.memory_space<hbm>> -> memref<1x4096xf32, #tpu.memory_space<hbm>>
      %dma_wait3A_50 = arith.constant 0 : i32
      %dma_wait3A_51 = arith.constant 0 : i32
      %dma_wait3A_52 = tpu.memref_slice %arg4[%dma_wait3A_45, %dma_wait3A_50, %dma_wait3A_51] : memref<200x64x4096xf32, #tpu.memory_space<hbm>> -> memref<1x1x4096xf32, #tpu.memory_space<hbm>>
      %dma_wait3A_53 = tpu.memref_squeeze %dma_wait3A_52 : memref<1x1x4096xf32, #tpu.memory_space<hbm>> -> memref<1x4096xf32, #tpu.memory_space<hbm>>
      tpu.wait_dma2 semaphore(%arg18 : memref<!tpu.dma_semaphore, #tpu.memory_space<semaphore_mem>>) src(%arg11 : memref<1x4096xf32, #tpu.memory_space<vmem>>) dst(%dma_wait3A_53 : memref<1x4096xf32, #tpu.memory_space<hbm>>)
      %barrier3A = arith.constant 0 : index
      tpu.barrier barrier_id(%barrier3A)
    }
    %scan3A_7 = arith.constant 2 : i32
    return
  }
}

</mosaic_0001>

<sc_bundles>
// kernel: kernel.3.cloned.1.call-start
scs
__scs_entry_jumppad:
0x0: {  	(pc) =	sbr.rel $0x88, $3  }
0x1: {  	(tag) =	ssettag $0x0;
	lr =	simm.s32 $0x1  }
0x2: {  	[smem:$0x3F9F] =	sst lr;
	_ =	strace $0xD0000000  }
0x3: {  	_ = 	snop  }
0x4: {  	_ = 	snop  }
0x5: {  	_ = 	snop  }
0x6: {  	_ = 	snop  }
0x7: {  	_ = 	snop  }
__scs_overlays_trampoline_lowered:
0x8: {  	[smem:$0x3FAE] =	sst s0  }
0x9: {  	[smem:$0x3FAF] =	sst s1  }
0xa: {  	[smem:$0x3FB0] =	sst s2  }
0xb: {  	[smem:$0x3FB1] =	sst s3  }
0xc: {  	[smem:$0x3FB2] =	sst s4  }
0xd: {  	[smem:$0x3FB3] =	sst s5  }
0xe: {  	[smem:$0x3FB4] =	sst s6  }
0xf: {  	[smem:$0x3FB5] =	sst s7  }
0x10: {  	[smem:$0x3FB6] =	sst s8  }
0x11: {  	[smem:$0x3FB7] =	sst s9;
	s0 =	simm.s32 @!p0 $0x0  }
0x12: {  	s1 =	sld [smem:$0x3F9D];
	s0 =	simm.s32 @p0 $0x1  }
0x13: {  	[smem:$0x3FB8] =	sst s0;
	s0 =	simm.s32 @!p1 $0x0  }
0x14: {  	s2 =	sld [smem:$0x3F9C];
	s0 =	simm.s32 @p1 $0x1  }
0x15: {  	[smem:$0x3FB9] =	sst s0;
	s0 =	simm.s32 @!p2 $0x0  }
0x16: {  	s3 =	sld [smem:$0x3FDB];
	s0 =	simm.s32 @p2 $0x1  }
0x17: {  	s4 =	simm.s32 $0x1BF5;
	[smem:$0x3FBB] =	sst s0  }
0x18: {  	s0 =	sld [smem:$0x3F9E];
	_ =	swait.ge [sflag:s4], $0x0  }
0x19: {  	s7 =	sld [smem:$0x3F9F]  }
0x1a: {  	s8 =	sadd.s32 $0xFFFFE003, lr  }
0x1b: {  	s9 =	sadd.s32 $0xFFFFFEF7, lr;
	s5 =	simm.s32 $0xFFFFFFFF;
	p2 =	slt.u32 s8, $0xFFFFF086  }
0x1c: {  	p1 =	slt.u32 s9, $0xF7A;
	s5 =	simm.s32 @!p2 $0x0  }
0x1d: {  	s5 =	simm.s32 @p1 $0x1;
	p0 =	seq.s32 s7, s2  }
0x1e: {  	s7 =	smul.u32 @!p0 $0xF7A, s2;
	p2 =	seq.s32 @!p0 s5, $0x0  }
0x1f: {  	s9 =	smul.u32 $0xF7A, s1;
	s8 =	simm.s32 @!p0 $0x1BF5;
	p2 =	por !p2, p0  }
0x20: {  	[sflag:s8] =	ssyncset.s32 @!p0 $0xFFFFF086;
	s6 =	sadd.s32 @!p0 s3, s7;
	s7 =	simm.s32 @!p0 $0x108  }
0x21: {  	s3 =	sadd.s32 s3, s9;
	s6 =	sadd.s32 @!p0 $0x88, s6;
	s7 =	simm.s32 @p2 $0x1082  }
0x22: {  	[simem:s7], [sflag:s8] =	dma.local @!p0 [hbm:s6], $0xF7A  }
0x23: {  	s9 =	sor.u32 $0xD0000000, s2;
	s6 =	simm.s32 $0x108;
	_ =	swait.ge @!p0 [sflag:s8], $0x0  }
0x24: {  	s3 =	sadd.s32 $0x88, s3;
	s6 =	simm.s32 @!p1 $0x1082;
	[sflag:s4] =	ssyncset.s32 $0xFFFFF086  }
0x25: {  	[simem:s6], [sflag:s4] =	dma.local [hbm:s3], $0xF7A  }
0x26: {  	[smem:$0x3F9F] =	sst s1;
	(tag) =	ssettag s2;
	_ =	strace s9  }
0x27: {  	s1 =	sld [smem:$0x3FAF]  }
0x28: {  	s2 =	sld [smem:$0x3FB0]  }
0x29: {  	s4 =	sld [smem:$0x3FB2]  }
0x2a: {  	p0 =	seq.s32 s5, $0x0;
	s5 =	sld [smem:$0x3FB3]  }
0x2b: {  	s6 =	sld [smem:$0x3FB4]  }
0x2c: {  	s7 =	sld [smem:$0x3FB5]  }
0x2d: {  	s3 =	simm.s32 $0x108;
	s8 =	sld [smem:$0x3FB6]  }
0x2e: {  	s3 =	simm.s32 @!p0 $0x1082;
	s9 =	sld [smem:$0x3FB7]  }
0x2f: {  	lr =	sadd.s32 s0, s3;
	s0 =	sld [smem:$0x3FAE]  }
0x30: {  	s3 =	sld [smem:$0x3FB1]  }
0x31: {  	[smem:$0x3FBA] =	sst s10  }
0x32: {  	s10 =	sld [smem:$0x3FB8];
	_ =	sdelay $0x3  }
0x33: {  	p0 =	seq.s32 s10, $0x1;
	s10 =	sld [smem:$0x3FBA];
	_ =	sdelay $0x3  }
0x34: {  	[smem:$0x3FBA] =	sst s10  }
0x35: {  	s10 =	sld [smem:$0x3FB9];
	_ =	sdelay $0x3  }
0x36: {  	p1 =	seq.s32 s10, $0x1;
	s10 =	sld [smem:$0x3FBA];
	_ =	sdelay $0x3  }
0x37: {  	[smem:$0x3FBA] =	sst s10  }
0x38: {  	s10 =	sld [smem:$0x3FBB]  }
0x39: {  	_ = 	snop;
	(pc) =	sbr.ind lr, $3  }
0x3a: {  	_ = 	snop  }
0x3b: {  	_ = 	snop  }
0x3c: {  	p2 =	seq.s32 s10, $0x1;
	s10 =	sld [smem:$0x3FBA]  }
0x3d: {  	_ =	shalt  }
0x3e: {  	_ =	shalt  }
0x3f: {  	_ =	shalt  }
0x40: {  	_ =	shalt  }
0x41: {  	_ =	shalt  }
0x42: {  	_ =	shalt  }
0x43: {  	_ =	shalt  }
0x44: {  	_ =	shalt  }
0x45: {  	_ =	shalt  }
0x46: {  	_ =	shalt  }
0x47: {  	_ =	shalt  }
0x48: {  	_ =	shalt  }
0x49: {  	_ =	shalt  }
0x4a: {  	_ =	shalt  }
0x4b: {  	_ =	shalt  }
0x4c: {  	_ =	shalt  }
0x4d: {  	_ =	shalt  }
0x4e: {  	_ =	shalt  }
0x4f: {  	_ =	shalt  }
0x50: {  	_ =	shalt  }
0x51: {  	_ =	shalt  }
0x52: {  	_ =	shalt  }
0x53: {  	_ =	shalt  }
0x54: {  	_ =	shalt  }
0x55: {  	_ =	shalt  }
0x56: {  	_ =	shalt  }
0x57: {  	_ =	shalt  }
0x58: {  	_ =	shalt  }
0x59: {  	_ =	shalt  }
0x5a: {  	_ =	shalt  }
0x5b: {  	_ =	shalt  }
0x5c: {  	_ =	shalt  }
0x5d: {  	_ =	shalt  }
0x5e: {  	_ =	shalt  }
0x5f: {  	_ =	shalt  }
0x60: {  	_ =	shalt  }
0x61: {  	_ =	shalt  }
0x62: {  	_ =	shalt  }
0x63: {  	_ =	shalt  }
0x64: {  	_ =	shalt  }
0x65: {  	_ =	shalt  }
0x66: {  	_ =	shalt  }
0x67: {  	_ =	shalt  }
0x68: {  	_ =	shalt  }
0x69: {  	_ =	shalt  }
0x6a: {  	_ =	shalt  }
0x6b: {  	_ =	shalt  }
0x6c: {  	_ =	shalt  }
0x6d: {  	_ =	shalt  }
0x6e: {  	_ =	shalt  }
0x6f: {  	_ =	shalt  }
0x70: {  	_ =	shalt  }
0x71: {  	_ =	shalt  }
0x72: {  	_ =	shalt  }
0x73: {  	_ =	shalt  }
0x74: {  	_ =	shalt  }
0x75: {  	_ =	shalt  }
0x76: {  	_ =	shalt  }
0x77: {  	_ =	shalt  }
0x78: {  	_ =	shalt  }
0x79: {  	_ =	shalt  }
0x7a: {  	_ =	shalt  }
0x7b: {  	_ =	shalt  }
0x7c: {  	_ =	shalt  }
0x7d: {  	_ =	shalt  }
0x7e: {  	_ =	shalt  }
0x7f: {  	_ =	shalt  }
0x80: {  	_ =	shalt  }
0x81: {  	_ =	shalt  }
0x82: {  	_ =	shalt  }
0x83: {  	_ =	shalt  }
0x84: {  	_ =	shalt  }
0x85: {  	_ =	shalt  }
0x86: {  	_ =	shalt  }
0x87: {  	_ =	shalt  }
.Lfunc_end0:
.L_simem_size_0:
called_computation_lowered:
.L_overlay_start_0:
0x88: {  	s2 =	sld [smem:$0x3FD9]  }
0x89: {  	s3 =	sld [smem:$0x3FFE];
	_ =	sdelay $0x1  }
0x8a: {  	s1 =	srdreg.scid  }
0x8b: {  	s0 =	sand.u32 $0x1, s1  }
0x8c: {  	s17 =	sshll.u32 s0, $0xA;
	s2 =	sadd.s32 s3, s2  }
0x8d: {  	s2 =	sadd.s32 s2, s17  }
0x8e: {  	[smem:$0x3FC6] =	sst s2  }
0x8f: {  	_ = 	snop  }
0x90: {  	s2 =	sld [smem:$0x3FC8]  }
0x91: {  	s18 =	sld [smem:$0x3FD0];
	(tm) =	ssettm $0x1  }
0x92: {  	s4 =	sld [smem:$0x3FFB];
	_ =	sdelay $0x3  }
0x93: {  	_ =	strace s4  }
0x94: {  	s4 =	sld [smem:$0x3FFC];
	_ =	sdelay $0x3  }
0x95: {  	_ =	strace s4  }
0x96: {  	s4 =	sld [smem:$0x3FFD];
	_ =	sdelay $0x3  }
0x97: {  	_ =	strace s4  }
0x98: {  	_ =	strace $0x8FFFFFFF  }
0x99: {  	s19 =	sld [smem:$0x3FDB];
	_ =	sdelay $0x1  }
0x9a: {  	s5 =	simm.s32 $_scs_section_size  }
0x9b: {  	s6 =	simm.s32 $_size__tile_overlayer_lowered;
	s7 =	simm.s32 $_tile_overlayer_lowered  }
0x9c: {  	s22 =	simm.s32 $0x1BFF;
	s21 =	sshll.u32 s7, $0x1;
	s4 =	sadd.s32 s5, s19  }
0x9d: {  	s8 =	simm.s32 $0x0;
	s20 =	sshll.u32 s6, $0x1;
	s6 =	sadd.s32 s21, s4  }
0x9e: {  	[timem:s8], [sflag:s22] =	dma.local [hbm:s6], s20  }
0x9f: {  	_ =	swait.ge [sflag:s22], s20  }
0xa0: {  	s5 =	ssub.s32 $0x0, s20;
	[sflag:s22] =	ssyncset.done $0x0  }
0xa1: {  	[sflag:s22] =	ssyncadd.s32 s5;
	_ =	sdelay $0x1  }
0xa2: {  	s23 =	simm.s32 $0x1B8B  }
0xa3: {  	_ =	swait.ge [sflag:s23], $0x1  }
0xa4: {  	[sflag:s23] =	ssyncset.done $0x0  }
0xa5: {  	s25 =	simm.s32 $0x1B8E;
	s24 =	sld [smem:$0x3FFE];
	[sflag:s23] =	ssyncadd.s32 $0xFFFFFFFF  }
0xa6: {  	s26 =	simm.s32 $execute0_lowered;
	[smem:$0x3FD2] =	sst s25  }
0xa7: {  	s6 =	sshll.u32 s26, $0x1;
	_ =	strace $0x80000046;
	[dreg:$0x1] =	wrdreg $0xFFFFFFFF  }
0xa8: {  	s28 =	simm.s32 $_size_execute0_lowered;
	s4 =	sadd.s32 s4, s6;
	[dreg:$0x0] =	wrdreg $0x0  }
0xa9: {  	s6 =	sshll.u32 s28, $0x1;
	[dreg:$0x2] =	wrdreg s4  }
0xaa: {  	[dreg:$0x3] =	wrdreg s6  }
0xab: {  	[dreg:$0x4] =	wrdreg $0xC0  }
0xac: {  	_ =	task [dreg:s8], $0x5FFFF  }
0xad: {  	[dreg:$0x1] =	wrdreg $0xFFFFFFFF  }
0xae: {  	[dreg:$0x0] =	wrdreg $0x60  }
0xaf: {  	[dreg:$0x2] =	wrdreg s24  }
0xb0: {  	[dreg:$0x3] =	wrdreg s2  }
0xb1: {  	[dreg:$0x4] =	wrdreg s18  }
0xb2: {  	[dreg:$0x5] =	wrdreg $0x1E7000  }
0xb3: {  	[dreg:$0x6] =	wrdreg $0x9  }
0xb4: {  	_ =	task.clear_ibuf [dreg:s8], $0x7FFFF;
	_ =	strace $0x90000046  }
0xb5: {  	s29 =	simm.s32 $0x9;
	_ =	strace $0x80000048  }
0xb6: {  	_ =	swait.ge [sflag:s29], $0x1  }
0xb7: {  	[sflag:s29] =	ssyncadd.s32 $0xFFFFFFFF  }
0xb8: {  	_ =	strace $0x90000048  }
0xb9: {  	_ =	sfence  }
0xba: {  	s30 =	sld [smem:$0x0];
	_ =	sdelay $0x2  }
0xbb: {  	s31 =	sshll.u32 s1, $0xD;
	s1 =	sshrl.u32 s1, $0x2  }
0xbc: {  	s3 =	sand.u32 $0x4000, s31;
	s1 =	sadd.s32 s1, s30  }
0xbd: {  	s0 =	sor.u32 s3, s0;
	s1 =	sshll.u32 s1, $0x11  }
0xbe: {  	s0 =	sor.u32 s1, s0  }
0xbf: {  	s0 =	sadd.s32 $0x8F2B, s0  }
0xc0: {  	[sflag:s0] =	ssyncadd.remote.s32 $0x1  }
0xc1: {  	_ =	sfence.sel $0xFFFF  }
0xc2: {  	[dreg:$0x0] =	wrdreg $0xFFFFFFFF;
	(pc) =	sbr.abs _section_cstart, $3  }
0xc3: {  	[dreg:$0x1] =	wrdreg $0xFFFFFFFF  }
0xc4: {  	_ =	task.clear_ibuf [dreg:s8], $0x2FFFF;
	_ =	strace $0x9FFFFFFF  }
0xc5: {  	(tm) =	ssettm $0x7FFFFFFF  }
tec
execute0_lowered:
.L_overlay_start_1:
0x0: {  	(tag) =	ssettag $0x1  }
0x1: {  	s0 =	rddreg [dreg:$0x0]  }
0x2: {  	s1 =	rddreg [dreg:$0x1]  }
0x3: {  	s2 =	rddreg [dreg:$0x2]  }
0x4: {  	s3 =	rddreg [dreg:$0x3];
	s5 =	srdreg.scid;
	s4 =	simm.s32 $0x0  }
0x5: {  	s8 =	stileid.u32;
	s11 =	simm.s32 $0x8;
	s13 =	simm.s32 $0x18700  }
0x6: {  	s14 =	simm.s32 $0x19700;
	s15 =	simm.s32 $0x1;
	s16 =	simm.s32 $0x1A700  }
0x7: {  	s17 =	simm.s32 $0x2;
	s18 =	simm.s32 $0x1B700;
	s19 =	simm.s32 $0x1C700  }
0x8: {  	s20 =	simm.s32 $0x1D700;
	s21 =	simm.s32 $0x3;
	s22 =	simm.s32 $0x4  }
0x9: {  	s23 =	simm.s32 $0x5;
	s24 =	simm.s32 $0x6;
	s25 =	simm.s32 $0x0  }
0xa: {  	s6 =	sand.u32 $0x1, s5;
	[smem:$0x7FF] =	sst s4;
	s5 =	sshll.u32 s8, $0x1  }
0xb: {  	p0 =	sne.s32 s8, $0x0;
	p1 =	seq.s32 s8, $0x0;
	s7 =	ssub.s32 $0x2, s6  }
0xc: {  	_ =	strace $0x80000047;
	s10 =	sor.u32 s6, s5;
	s9 =	sshrl.u32 s7, $0x1  }
0xd: {  	s6 =	sadd.s32 $0x400, s0;
	s12 =	sshrl.u32 @!p0 s3, $0x3;
	s30 =	ssub.s32 s7, s9  }
0xe: {  	s31 =	sshll.u32 s10, $0x7;
	s10 =	simm.s32 $0x400;
	s0 =	smax.u32 s30, $0x1  }
0xf: {  	s7 =	sand.u32 $0x380, s31;
	s9 =	simm.s32 $0x80;
	[dreg:$0x5] =	wrdreg s0  }
.LBB2_1:
0x10: {  	p3 =	por $0x1, $0x1;
	s0 =	simm.s32 $0x0  }
.LBB2_2:
0x11: {  	s0 =	sor.u32 s5, s0  }
0x12: {  	s0 =	sshrl.u32 s0, $0x3  }
0x13: {  	s8 =	smul.u32 $0xC3800, s0;
	_ =	sdelay $0x1  }
0x14: {  	s8 =	sor.u32 s7, s8  }
0x15: {  	s8 =	sshrl.u32 s8, $0x3  }
0x16: {  	s8 =	sadd.s32 s1, s8  }
0x17: {  	[tilespmem:s4], [sflag:$0x8] =	stream.strided.gather [hbm4b:s8+s9], $0x18700, s10, s9, $0x38;
	[tilespmem:$0x1F700] =	vst v63  }
0x18: {  	_ =	swait.ge [sflag:s11], $0x18700  }
0x19: {  	p2 =	por p3, p3;
	s29 =	simm.s32 $0x0;
	[sflag:s11] =	ssyncset.done $0x0  }
0x1a: {  	s26 =	sshll.u32 s0, $0xF;
	s8 =	simm.s32 @!p0 $0x1C07;
	[sflag:s11] =	ssyncadd.s32 $0xFFFE7900  }
0x1b: {  	[spmem:s12], [sflag:s8] =	dma.local @!p0 [hbm:s6], $0x1000  }
.LBB2_3:
0x1c: {  	p4 =	seq.s32 @p1 s29, $0x18  }
0x1d: {  	s8 =	simm.s32 @p1 $0x7;
	p3 =	por p4, !p1  }
0x1e: {  	_ =	swait.ge @p1 [sflag:s8], $0x1000;
	s0 =	sadd.s32 @!p3 $0x1, s29  }
0x1f: {  	[sflag:s8] =	ssyncset.done @p1 $0x0;
	s28 =	sshll.u32 @!p3 s0, $0xF  }
0x20: {  	[sflag:s8] =	ssyncadd.s32 @p1 $0xFFFFF000;
	s8 =	sand.u32 @!p3 $0x8000, s28  }
0x21: {  	s30 =	simm.s32 @!p3 $0x1C07;
	s28 =	sshll.u32 @!p3 s0, $0xC;
	s8 =	sadd.s32 @!p3 s8, s3  }
0x22: {  	[bflag:$0x0] =	sbarrier.arrive @p1 $0xFFFF;
	s28 =	sadd.s32 @!p3 s6, s28;
	s8 =	sshrl.u32 @!p3 s8, $0x3  }
0x23: {  	[spmem:s8], [sflag:s30] =	dma.local @!p3 [hbm:s28], $0x1000  }
0x24: {  	s8 =	sshll.u32 s29, $0xF  }
0x25: {  	s8 =	sand.u32 $0x8000, s8  }
0x26: {  	[bflag:$0x0] =	sbarrier.arrive @!p1 $0xFFFF;
	s30 =	sadd.s32 s8, s3  }
0x27: {  	[tilespmem:s13], [sflag:$0x1] =	stream.linear.gather [spmem:s30], $0x1000, $0x38;
	[tilespmem:$0x1F700] =	vst v63  }
0x28: {  	s8 =	sadd.s32 $0x1000, s30  }
0x29: {  	[tilespmem:s14], [sflag:$0x2] =	stream.linear.gather [spmem:s8], $0x1000, $0x38;
	[tilespmem:$0x1F700] =	vst v63  }
0x2a: {  	_ =	swait.ge [sflag:s15], $0x1000  }
0x2b: {  	p3 =	seq.s32 s29, $0x0;
	[sflag:s15] =	ssyncset.done $0x0  }
0x2c: {  	s8 =	simm.s32 @!p3 $0x3;
	[sflag:s15] =	ssyncadd.s32 $0xFFFFF000  }
0x2d: {  	_ =	swait.ge @!p3 [sflag:s8], $0x1000  }
0x2e: {  	[sflag:s8] =	ssyncset.done @!p3 $0x0  }
0x2f: {  	[sflag:s8] =	ssyncadd.s32 @!p3 $0xFFFFF000;
	s8 =	simm.s32 $0x18780  }
0x30: {  	v0 =	vld [tilespmem:s8+$0x70]  }
0x31: {  	v1 =	vld [tilespmem:s8+$0xFFFFFF90]  }
0x32: {  	v2 =	vld [tilespmem:s8+$0xFFFFFFA0]  }
0x33: {  	v3 =	vld [tilespmem:s8+$0xFFFFFFB0]  }
0x34: {  	v4 =	vld [tilespmem:s8+$0xFFFFFFC0]  }
0x35: {  	v5 =	vld [tilespmem:s8+$0xFFFFFFD0]  }
0x36: {  	v6 =	vld [tilespmem:s8+$0xFFFFFFE0]  }
0x37: {  	v7 =	vld [tilespmem:s8+$0xFFFFFFF0]  }
0x38: {  	v8 =	vld [tilespmem:s8+$0x0]  }
0x39: {  	v9 =	vld [tilespmem:s8+$0x10]  }
0x3a: {  	v10 =	vld [tilespmem:s8+$0x20]  }
0x3b: {  	v11 =	vld [tilespmem:s8+$0x30]  }
0x3c: {  	v12 =	vld [tilespmem:s8+$0x40]  }
0x3d: {  	v13 =	vld [tilespmem:s8+$0x50]  }
0x3e: {  	v14 =	vld [tilespmem:s8+$0x60]  }
0x3f: {  	v15 =	vld [tilespmem:s8+$0xFFFFFF80]  }
0x40: {  	v0 =	vld.idx.msk [tilespmem:v0+s4+$0x0], $0xffff  }
0x41: {  	v1 =	vld.idx.msk [tilespmem:v1+s4+$0x0], $0xffff  }
0x42: {  	v2 =	vld.idx.msk [tilespmem:v2+s4+$0x0], $0xffff  }
0x43: {  	v3 =	vld.idx.msk [tilespmem:v3+s4+$0x0], $0xffff  }
0x44: {  	v4 =	vld.idx.msk [tilespmem:v4+s4+$0x0], $0xffff  }
0x45: {  	s31 =	simm.s32 $0x1A780;
	v5 =	vld.idx.msk [tilespmem:v5+s4+$0x0], $0xffff  }
0x46: {  	v6 =	vld.idx.msk [tilespmem:v6+s4+$0x0], $0xffff;
	[tilespmem:s31+$0x70] =	vst v0  }
0x47: {  	v7 =	vld.idx.msk [tilespmem:v7+s4+$0x0], $0xffff;
	[tilespmem:s31+$0xFFFFFF90] =	vst v1  }
0x48: {  	v15 =	vld.idx.msk [tilespmem:v15+s4+$0x0], $0xffff;
	[tilespmem:s31+$0xFFFFFFA0] =	vst v2  }
0x49: {  	v8 =	vld.idx.msk [tilespmem:v8+s4+$0x0], $0xffff;
	[tilespmem:s31+$0xFFFFFFB0] =	vst v3  }
0x4a: {  	[tilespmem:s31+$0xFFFFFFC0] =	vst v4;
	v0 =	vld.idx.msk [tilespmem:v9+s4+$0x0], $0xffff  }
0x4b: {  	[tilespmem:s31+$0xFFFFFFD0] =	vst v5;
	v1 =	vld.idx.msk [tilespmem:v10+s4+$0x0], $0xffff  }
0x4c: {  	[tilespmem:s31+$0xFFFFFFE0] =	vst v6;
	v2 =	vld.idx.msk [tilespmem:v11+s4+$0x0], $0xffff  }
0x4d: {  	p4 =	por !p4, !p1;
	[tilespmem:s31+$0xFFFFFFF0] =	vst v7;
	v3 =	vld.idx.msk [tilespmem:v12+s4+$0x0], $0xffff  }
0x4e: {  	s0 =	simm.s32 @!p4 $0x19;
	s28 =	sadd.s32 @!p1 $0x1, s29;
	[tilespmem:s31+$0xFFFFFF80] =	vst v15;
	v4 =	vld.idx.msk [tilespmem:v13+s4+$0x0], $0xffff  }
0x4f: {  	s28 =	smov.u32 @p1 s0;
	s0 =	simm.s32 $0x0;
	s8 =	simm.s32 $0x18880;
	[tilespmem:s31+$0x0] =	vst v8;
	v5 =	vld.idx.msk [tilespmem:v14+s4+$0x0], $0xffff  }
.LBB2_4:
0x50: {  	v6 =	vld [tilespmem:s8+$0x70];
	s0 =	sadd.s32 $0x100, s0;
	[tilespmem:s31+$0x10] =	vst v0  }
0x51: {  	v0 =	vld [tilespmem:s8+$0xFFFFFF90];
	p4 =	slt.u32 s0, $0xF00;
	[tilespmem:s31+$0x20] =	vst v1  }
0x52: {  	v1 =	vld [tilespmem:s8+$0xFFFFFFA0];
	[tilespmem:s31+$0x30] =	vst v2  }
0x53: {  	v2 =	vld [tilespmem:s8+$0xFFFFFFB0];
	[tilespmem:s31+$0x40] =	vst v3  }
0x54: {  	v3 =	vld [tilespmem:s8+$0xFFFFFFC0];
	[tilespmem:s31+$0x50] =	vst v4  }
0x55: {  	v4 =	vld [tilespmem:s8+$0xFFFFFFD0];
	[tilespmem:s31+$0x60] =	vst v5  }
0x56: {  	v5 =	vld [tilespmem:s8+$0xFFFFFFE0]  }
0x57: {  	v7 =	vld [tilespmem:s8+$0xFFFFFFF0]  }
0x58: {  	v6 =	vld.idx.msk [tilespmem:v6+s4+$0x0], $0xffff  }
0x59: {  	v8 =	vld [tilespmem:s8+$0x0]  }
0x5a: {  	v9 =	vld [tilespmem:s8+$0x10]  }
0x5b: {  	v10 =	vld [tilespmem:s8+$0x20]  }
0x5c: {  	v11 =	vld [tilespmem:s8+$0x30]  }
0x5d: {  	s31 =	sadd.s32 $0x100, s31;
	v12 =	vld [tilespmem:s8+$0x40]  }
0x5e: {  	v13 =	vld [tilespmem:s8+$0x50];
	[tilespmem:s31+$0x70] =	vst v6  }
0x5f: {  	v6 =	vld [tilespmem:s8+$0x60]  }
0x60: {  	v14 =	vld [tilespmem:s8+$0xFFFFFF80]  }
0x61: {  	v0 =	vld.idx.msk [tilespmem:v0+s4+$0x0], $0xffff  }
0x62: {  	v1 =	vld.idx.msk [tilespmem:v1+s4+$0x0], $0xffff  }
0x63: {  	v2 =	vld.idx.msk [tilespmem:v2+s4+$0x0], $0xffff  }
0x64: {  	v3 =	vld.idx.msk [tilespmem:v3+s4+$0x0], $0xffff  }
0x65: {  	v4 =	vld.idx.msk [tilespmem:v4+s4+$0x0], $0xffff  }
0x66: {  	v5 =	vld.idx.msk [tilespmem:v5+s4+$0x0], $0xffff  }
0x67: {  	[tilespmem:s31+$0xFFFFFF90] =	vst v0;
	v7 =	vld.idx.msk [tilespmem:v7+s4+$0x0], $0xffff  }
0x68: {  	v14 =	vld.idx.msk [tilespmem:v14+s4+$0x0], $0xffff;
	[tilespmem:s31+$0xFFFFFFA0] =	vst v1  }
0x69: {  	[tilespmem:s31+$0xFFFFFFB0] =	vst v2;
	v8 =	vld.idx.msk [tilespmem:v8+s4+$0x0], $0xffff  }
0x6a: {  	[tilespmem:s31+$0xFFFFFFC0] =	vst v3;
	v0 =	vld.idx.msk [tilespmem:v9+s4+$0x0], $0xffff  }
.Ltmp0:
0x6b: {  	[tilespmem:s31+$0xFFFFFFD0] =	vst v4;
	v1 =	vld.idx.msk [tilespmem:v10+s4+$0x0], $0xffff;
	(pc) =	sbr.rel @p4 .LBB2_4-.Ltmp0, $4  }
0x6c: {  	[tilespmem:s31+$0xFFFFFFE0] =	vst v5;
	v2 =	vld.idx.msk [tilespmem:v11+s4+$0x0], $0xffff  }
0x6d: {  	[tilespmem:s31+$0xFFFFFFF0] =	vst v7;
	v3 =	vld.idx.msk [tilespmem:v12+s4+$0x0], $0xffff  }
0x6e: {  	[tilespmem:s31+$0xFFFFFF80] =	vst v14;
	v4 =	vld.idx.msk [tilespmem:v13+s4+$0x0], $0xffff  }
0x6f: {  	s8 =	sadd.s32 $0x100, s8;
	[tilespmem:s31+$0x0] =	vst v8;
	v5 =	vld.idx.msk [tilespmem:v6+s4+$0x0], $0xffff  }
0x70: {  	[tilespmem:s31+$0x10] =	vst v0  }
0x71: {  	[tilespmem:s31+$0x20] =	vst v1;
	s0 =	sshll.u32 s29, $0x15  }
0x72: {  	[tilespmem:s31+$0x30] =	vst v2;
	s0 =	sor.u32 s0, s26  }
0x73: {  	[tilespmem:s31+$0x40] =	vst v3;
	s0 =	sor.u32 s7, s0  }
0x74: {  	[tilespmem:s31+$0x50] =	vst v4;
	s29 =	sshrl.u32 s0, $0x3  }
0x75: {  	[tilespmem:s31+$0x60] =	vst v5;
	s0 =	sadd.s32 s2, s29  }
0x76: {  	[hbm4b:s0+s9] =	stream.strided.scatter [tilespmem:s16], [sflag:$0x3], $0x1000, s10, s9, $0x38;
	[tilespmem:$0x1F700] =	vst v63  }
0x77: {  	s8 =	sadd.s32 $0x2000, s30  }
0x78: {  	[tilespmem:s13], [sflag:$0x1] =	stream.linear.gather [spmem:s8], $0x1000, $0x38;
	[tilespmem:$0x1F700] =	vst v63  }
0x79: {  	_ =	swait.ge [sflag:s17], $0x1000  }
0x7a: {  	[sflag:s17] =	ssyncset.done $0x0  }
0x7b: {  	s0 =	simm.s32 @!p3 $0x4;
	[sflag:s17] =	ssyncadd.s32 $0xFFFFF000  }
0x7c: {  	_ =	swait.ge @!p3 [sflag:s0], $0x1000  }
0x7d: {  	[sflag:s0] =	ssyncset.done @!p3 $0x0  }
0x7e: {  	s8 =	simm.s32 $0x19780;
	[sflag:s0] =	ssyncadd.s32 @!p3 $0xFFFFF000  }
0x7f: {  	v0 =	vld [tilespmem:s8+$0x70]  }
0x80: {  	v1 =	vld [tilespmem:s8+$0xFFFFFF90]  }
0x81: {  	v2 =	vld [tilespmem:s8+$0xFFFFFFA0]  }
0x82: {  	v3 =	vld [tilespmem:s8+$0xFFFFFFB0]  }
0x83: {  	v4 =	vld [tilespmem:s8+$0xFFFFFFC0]  }
0x84: {  	v5 =	vld [tilespmem:s8+$0xFFFFFFD0]  }
0x85: {  	v6 =	vld [tilespmem:s8+$0xFFFFFFE0]  }
0x86: {  	v7 =	vld [tilespmem:s8+$0xFFFFFFF0]  }
0x87: {  	v8 =	vld [tilespmem:s8+$0x0]  }
0x88: {  	v9 =	vld [tilespmem:s8+$0x10]  }
0x89: {  	v10 =	vld [tilespmem:s8+$0x20]  }
0x8a: {  	v11 =	vld [tilespmem:s8+$0x30]  }
0x8b: {  	v12 =	vld [tilespmem:s8+$0x40]  }
0x8c: {  	v13 =	vld [tilespmem:s8+$0x50]  }
0x8d: {  	v14 =	vld [tilespmem:s8+$0x60]  }
0x8e: {  	v15 =	vld [tilespmem:s8+$0xFFFFFF80]  }
0x8f: {  	v0 =	vld.idx.msk [tilespmem:v0+s4+$0x0], $0xffff  }
0x90: {  	v1 =	vld.idx.msk [tilespmem:v1+s4+$0x0], $0xffff  }
0x91: {  	v2 =	vld.idx.msk [tilespmem:v2+s4+$0x0], $0xffff  }
0x92: {  	v3 =	vld.idx.msk [tilespmem:v3+s4+$0x0], $0xffff  }
0x93: {  	v4 =	vld.idx.msk [tilespmem:v4+s4+$0x0], $0xffff  }
0x94: {  	s31 =	simm.s32 $0x1B780;
	v5 =	vld.idx.msk [tilespmem:v5+s4+$0x0], $0xffff  }
0x95: {  	v6 =	vld.idx.msk [tilespmem:v6+s4+$0x0], $0xffff;
	[tilespmem:s31+$0x70] =	vst v0  }
0x96: {  	v7 =	vld.idx.msk [tilespmem:v7+s4+$0x0], $0xffff;
	[tilespmem:s31+$0xFFFFFF90] =	vst v1  }
0x97: {  	v15 =	vld.idx.msk [tilespmem:v15+s4+$0x0], $0xffff;
	[tilespmem:s31+$0xFFFFFFA0] =	vst v2  }
0x98: {  	v8 =	vld.idx.msk [tilespmem:v8+s4+$0x0], $0xffff;
	[tilespmem:s31+$0xFFFFFFB0] =	vst v3  }
0x99: {  	[tilespmem:s31+$0xFFFFFFC0] =	vst v4;
	v0 =	vld.idx.msk [tilespmem:v9+s4+$0x0], $0xffff  }
0x9a: {  	[tilespmem:s31+$0xFFFFFFD0] =	vst v5;
	v1 =	vld.idx.msk [tilespmem:v10+s4+$0x0], $0xffff  }
0x9b: {  	[tilespmem:s31+$0xFFFFFFE0] =	vst v6;
	v2 =	vld.idx.msk [tilespmem:v11+s4+$0x0], $0xffff  }
0x9c: {  	[tilespmem:s31+$0xFFFFFFF0] =	vst v7;
	v3 =	vld.idx.msk [tilespmem:v12+s4+$0x0], $0xffff  }
0x9d: {  	[tilespmem:s31+$0xFFFFFF80] =	vst v15;
	v4 =	vld.idx.msk [tilespmem:v13+s4+$0x0], $0xffff  }
0x9e: {  	s0 =	simm.s32 $0x0;
	s8 =	simm.s32 $0x19880;
	[tilespmem:s31+$0x0] =	vst v8;
	v5 =	vld.idx.msk [tilespmem:v14+s4+$0x0], $0xffff  }
.LBB2_6:
0x9f: {  	v6 =	vld [tilespmem:s8+$0x70];
	s0 =	sadd.s32 $0x100, s0;
	[tilespmem:s31+$0x10] =	vst v0  }
0xa0: {  	v0 =	vld [tilespmem:s8+$0xFFFFFF90];
	p4 =	slt.u32 s0, $0xF00;
	[tilespmem:s31+$0x20] =	vst v1  }
0xa1: {  	v1 =	vld [tilespmem:s8+$0xFFFFFFA0];
	[tilespmem:s31+$0x30] =	vst v2  }
0xa2: {  	v2 =	vld [tilespmem:s8+$0xFFFFFFB0];
	[tilespmem:s31+$0x40] =	vst v3  }
0xa3: {  	v3 =	vld [tilespmem:s8+$0xFFFFFFC0];
	[tilespmem:s31+$0x50] =	vst v4  }
0xa4: {  	v4 =	vld [tilespmem:s8+$0xFFFFFFD0];
	[tilespmem:s31+$0x60] =	vst v5  }
0xa5: {  	v5 =	vld [tilespmem:s8+$0xFFFFFFE0]  }
0xa6: {  	v7 =	vld [tilespmem:s8+$0xFFFFFFF0]  }
0xa7: {  	v6 =	vld.idx.msk [tilespmem:v6+s4+$0x0], $0xffff  }
0xa8: {  	v8 =	vld [tilespmem:s8+$0x0]  }
0xa9: {  	v9 =	vld [tilespmem:s8+$0x10]  }
0xaa: {  	v10 =	vld [tilespmem:s8+$0x20]  }
0xab: {  	v11 =	vld [tilespmem:s8+$0x30]  }
0xac: {  	s31 =	sadd.s32 $0x100, s31;
	v12 =	vld [tilespmem:s8+$0x40]  }
0xad: {  	v13 =	vld [tilespmem:s8+$0x50];
	[tilespmem:s31+$0x70] =	vst v6  }
0xae: {  	v6 =	vld [tilespmem:s8+$0x60]  }
0xaf: {  	v14 =	vld [tilespmem:s8+$0xFFFFFF80]  }
0xb0: {  	v0 =	vld.idx.msk [tilespmem:v0+s4+$0x0], $0xffff  }
0xb1: {  	v1 =	vld.idx.msk [tilespmem:v1+s4+$0x0], $0xffff  }
0xb2: {  	v2 =	vld.idx.msk [tilespmem:v2+s4+$0x0], $0xffff  }
0xb3: {  	v3 =	vld.idx.msk [tilespmem:v3+s4+$0x0], $0xffff  }
0xb4: {  	v4 =	vld.idx.msk [tilespmem:v4+s4+$0x0], $0xffff  }
0xb5: {  	v5 =	vld.idx.msk [tilespmem:v5+s4+$0x0], $0xffff  }
0xb6: {  	[tilespmem:s31+$0xFFFFFF90] =	vst v0;
	v7 =	vld.idx.msk [tilespmem:v7+s4+$0x0], $0xffff  }
0xb7: {  	v14 =	vld.idx.msk [tilespmem:v14+s4+$0x0], $0xffff;
	[tilespmem:s31+$0xFFFFFFA0] =	vst v1  }
0xb8: {  	[tilespmem:s31+$0xFFFFFFB0] =	vst v2;
	v8 =	vld.idx.msk [tilespmem:v8+s4+$0x0], $0xffff  }
0xb9: {  	[tilespmem:s31+$0xFFFFFFC0] =	vst v3;
	v0 =	vld.idx.msk [tilespmem:v9+s4+$0x0], $0xffff  }
.Ltmp1:
0xba: {  	[tilespmem:s31+$0xFFFFFFD0] =	vst v4;
	v1 =	vld.idx.msk [tilespmem:v10+s4+$0x0], $0xffff;
	(pc) =	sbr.rel @p4 .LBB2_6-.Ltmp1, $4  }
0xbb: {  	[tilespmem:s31+$0xFFFFFFE0] =	vst v5;
	v2 =	vld.idx.msk [tilespmem:v11+s4+$0x0], $0xffff  }
0xbc: {  	[tilespmem:s31+$0xFFFFFFF0] =	vst v7;
	v3 =	vld.idx.msk [tilespmem:v12+s4+$0x0], $0xffff  }
0xbd: {  	[tilespmem:s31+$0xFFFFFF80] =	vst v14;
	v4 =	vld.idx.msk [tilespmem:v13+s4+$0x0], $0xffff  }
0xbe: {  	s8 =	sadd.s32 $0x100, s8;
	[tilespmem:s31+$0x0] =	vst v8;
	v5 =	vld.idx.msk [tilespmem:v6+s4+$0x0], $0xffff  }
0xbf: {  	[tilespmem:s31+$0x10] =	vst v0  }
0xc0: {  	[tilespmem:s31+$0x20] =	vst v1  }
0xc1: {  	[tilespmem:s31+$0x30] =	vst v2  }
0xc2: {  	[tilespmem:s31+$0x40] =	vst v3  }
0xc3: {  	s0 =	sor.u32 $0x8000, s29;
	[tilespmem:s31+$0x50] =	vst v4  }
0xc4: {  	s0 =	sadd.s32 s2, s0;
	[tilespmem:s31+$0x60] =	vst v5  }
0xc5: {  	[hbm4b:s0+s9] =	stream.strided.scatter [tilespmem:s18], [sflag:$0x4], $0x1000, s10, s9, $0x38;
	[tilespmem:$0x1F700] =	vst v63  }
0xc6: {  	s8 =	sadd.s32 $0x3000, s30  }
0xc7: {  	[tilespmem:s14], [sflag:$0x2] =	stream.linear.gather [spmem:s8], $0x1000, $0x38;
	[tilespmem:$0x1F700] =	vst v63  }
0xc8: {  	_ =	swait.ge [sflag:s15], $0x1000  }
0xc9: {  	[sflag:s15] =	ssyncset.done $0x0  }
0xca: {  	s0 =	simm.s32 @!p3 $0x5;
	[sflag:s15] =	ssyncadd.s32 $0xFFFFF000  }
0xcb: {  	_ =	swait.ge @!p3 [sflag:s0], $0x1000  }
0xcc: {  	[sflag:s0] =	ssyncset.done @!p3 $0x0  }
0xcd: {  	s8 =	simm.s32 $0x18780;
	[sflag:s0] =	ssyncadd.s32 @!p3 $0xFFFFF000  }
0xce: {  	v0 =	vld [tilespmem:s8+$0x70]  }
0xcf: {  	v1 =	vld [tilespmem:s8+$0xFFFFFF90]  }
0xd0: {  	v2 =	vld [tilespmem:s8+$0xFFFFFFA0]  }
0xd1: {  	v3 =	vld [tilespmem:s8+$0xFFFFFFB0]  }
0xd2: {  	v4 =	vld [tilespmem:s8+$0xFFFFFFC0]  }
0xd3: {  	v5 =	vld [tilespmem:s8+$0xFFFFFFD0]  }
0xd4: {  	v6 =	vld [tilespmem:s8+$0xFFFFFFE0]  }
0xd5: {  	v7 =	vld [tilespmem:s8+$0xFFFFFFF0]  }
0xd6: {  	v8 =	vld [tilespmem:s8+$0x0]  }
0xd7: {  	v9 =	vld [tilespmem:s8+$0x10]  }
0xd8: {  	v10 =	vld [tilespmem:s8+$0x20]  }
0xd9: {  	v11 =	vld [tilespmem:s8+$0x30]  }
0xda: {  	v12 =	vld [tilespmem:s8+$0x40]  }
0xdb: {  	v13 =	vld [tilespmem:s8+$0x50]  }
0xdc: {  	v14 =	vld [tilespmem:s8+$0x60]  }
0xdd: {  	v15 =	vld [tilespmem:s8+$0xFFFFFF80]  }
0xde: {  	v0 =	vld.idx.msk [tilespmem:v0+s4+$0x0], $0xffff  }
0xdf: {  	v1 =	vld.idx.msk [tilespmem:v1+s4+$0x0], $0xffff  }
0xe0: {  	v2 =	vld.idx.msk [tilespmem:v2+s4+$0x0], $0xffff  }
0xe1: {  	v3 =	vld.idx.msk [tilespmem:v3+s4+$0x0], $0xffff  }
0xe2: {  	v4 =	vld.idx.msk [tilespmem:v4+s4+$0x0], $0xffff  }
0xe3: {  	s31 =	simm.s32 $0x1C780;
	v5 =	vld.idx.msk [tilespmem:v5+s4+$0x0], $0xffff  }
0xe4: {  	v6 =	vld.idx.msk [tilespmem:v6+s4+$0x0], $0xffff;
	[tilespmem:s31+$0x70] =	vst v0  }
0xe5: {  	v7 =	vld.idx.msk [tilespmem:v7+s4+$0x0], $0xffff;
	[tilespmem:s31+$0xFFFFFF90] =	vst v1  }
0xe6: {  	v15 =	vld.idx.msk [tilespmem:v15+s4+$0x0], $0xffff;
	[tilespmem:s31+$0xFFFFFFA0] =	vst v2  }
0xe7: {  	v8 =	vld.idx.msk [tilespmem:v8+s4+$0x0], $0xffff;
	[tilespmem:s31+$0xFFFFFFB0] =	vst v3  }
0xe8: {  	[tilespmem:s31+$0xFFFFFFC0] =	vst v4;
	v0 =	vld.idx.msk [tilespmem:v9+s4+$0x0], $0xffff  }
0xe9: {  	[tilespmem:s31+$0xFFFFFFD0] =	vst v5;
	v1 =	vld.idx.msk [tilespmem:v10+s4+$0x0], $0xffff  }
0xea: {  	[tilespmem:s31+$0xFFFFFFE0] =	vst v6;
	v2 =	vld.idx.msk [tilespmem:v11+s4+$0x0], $0xffff  }
0xeb: {  	[tilespmem:s31+$0xFFFFFFF0] =	vst v7;
	v3 =	vld.idx.msk [tilespmem:v12+s4+$0x0], $0xffff  }
0xec: {  	[tilespmem:s31+$0xFFFFFF80] =	vst v15;
	v4 =	vld.idx.msk [tilespmem:v13+s4+$0x0], $0xffff  }
0xed: {  	s0 =	simm.s32 $0x0;
	s8 =	simm.s32 $0x18880;
	[tilespmem:s31+$0x0] =	vst v8;
	v5 =	vld.idx.msk [tilespmem:v14+s4+$0x0], $0xffff  }
.LBB2_8:
0xee: {  	v6 =	vld [tilespmem:s8+$0x70];
	s0 =	sadd.s32 $0x100, s0;
	[tilespmem:s31+$0x10] =	vst v0  }
0xef: {  	v0 =	vld [tilespmem:s8+$0xFFFFFF90];
	p4 =	slt.u32 s0, $0xF00;
	[tilespmem:s31+$0x20] =	vst v1  }
0xf0: {  	v1 =	vld [tilespmem:s8+$0xFFFFFFA0];
	[tilespmem:s31+$0x30] =	vst v2  }
0xf1: {  	v2 =	vld [tilespmem:s8+$0xFFFFFFB0];
	[tilespmem:s31+$0x40] =	vst v3  }
0xf2: {  	v3 =	vld [tilespmem:s8+$0xFFFFFFC0];
	[tilespmem:s31+$0x50] =	vst v4  }
0xf3: {  	v4 =	vld [tilespmem:s8+$0xFFFFFFD0];
	[tilespmem:s31+$0x60] =	vst v5  }
0xf4: {  	v5 =	vld [tilespmem:s8+$0xFFFFFFE0]  }
0xf5: {  	v7 =	vld [tilespmem:s8+$0xFFFFFFF0]  }
0xf6: {  	v6 =	vld.idx.msk [tilespmem:v6+s4+$0x0], $0xffff  }
0xf7: {  	v8 =	vld [tilespmem:s8+$0x0]  }
0xf8: {  	v9 =	vld [tilespmem:s8+$0x10]  }
0xf9: {  	v10 =	vld [tilespmem:s8+$0x20]  }
0xfa: {  	v11 =	vld [tilespmem:s8+$0x30]  }
0xfb: {  	s31 =	sadd.s32 $0x100, s31;
	v12 =	vld [tilespmem:s8+$0x40]  }
0xfc: {  	v13 =	vld [tilespmem:s8+$0x50];
	[tilespmem:s31+$0x70] =	vst v6  }
0xfd: {  	v6 =	vld [tilespmem:s8+$0x60]  }
0xfe: {  	v14 =	vld [tilespmem:s8+$0xFFFFFF80]  }
0xff: {  	v0 =	vld.idx.msk [tilespmem:v0+s4+$0x0], $0xffff  }
0x100: {  	v1 =	vld.idx.msk [tilespmem:v1+s4+$0x0], $0xffff  }
0x101: {  	v2 =	vld.idx.msk [tilespmem:v2+s4+$0x0], $0xffff  }
0x102: {  	v3 =	vld.idx.msk [tilespmem:v3+s4+$0x0], $0xffff  }
0x103: {  	v4 =	vld.idx.msk [tilespmem:v4+s4+$0x0], $0xffff  }
0x104: {  	v5 =	vld.idx.msk [tilespmem:v5+s4+$0x0], $0xffff  }
0x105: {  	[tilespmem:s31+$0xFFFFFF90] =	vst v0;
	v7 =	vld.idx.msk [tilespmem:v7+s4+$0x0], $0xffff  }
0x106: {  	v14 =	vld.idx.msk [tilespmem:v14+s4+$0x0], $0xffff;
	[tilespmem:s31+$0xFFFFFFA0] =	vst v1  }
0x107: {  	[tilespmem:s31+$0xFFFFFFB0] =	vst v2;
	v8 =	vld.idx.msk [tilespmem:v8+s4+$0x0], $0xffff  }
0x108: {  	[tilespmem:s31+$0xFFFFFFC0] =	vst v3;
	v0 =	vld.idx.msk [tilespmem:v9+s4+$0x0], $0xffff  }
.Ltmp2:
0x109: {  	[tilespmem:s31+$0xFFFFFFD0] =	vst v4;
	v1 =	vld.idx.msk [tilespmem:v10+s4+$0x0], $0xffff;
	(pc) =	sbr.rel @p4 .LBB2_8-.Ltmp2, $4  }
0x10a: {  	[tilespmem:s31+$0xFFFFFFE0] =	vst v5;
	v2 =	vld.idx.msk [tilespmem:v11+s4+$0x0], $0xffff  }
0x10b: {  	[tilespmem:s31+$0xFFFFFFF0] =	vst v7;
	v3 =	vld.idx.msk [tilespmem:v12+s4+$0x0], $0xffff  }
0x10c: {  	[tilespmem:s31+$0xFFFFFF80] =	vst v14;
	v4 =	vld.idx.msk [tilespmem:v13+s4+$0x0], $0xffff  }
0x10d: {  	s8 =	sadd.s32 $0x100, s8;
	[tilespmem:s31+$0x0] =	vst v8;
	v5 =	vld.idx.msk [tilespmem:v6+s4+$0x0], $0xffff  }
0x10e: {  	[tilespmem:s31+$0x10] =	vst v0  }
0x10f: {  	[tilespmem:s31+$0x20] =	vst v1  }
0x110: {  	[tilespmem:s31+$0x30] =	vst v2  }
0x111: {  	[tilespmem:s31+$0x40] =	vst v3  }
0x112: {  	s0 =	sor.u32 $0x10000, s29;
	[tilespmem:s31+$0x50] =	vst v4  }
0x113: {  	s0 =	sadd.s32 s2, s0;
	[tilespmem:s31+$0x60] =	vst v5  }
0x114: {  	[hbm4b:s0+s9] =	stream.strided.scatter [tilespmem:s19], [sflag:$0x5], $0x1000, s10, s9, $0x38;
	[tilespmem:$0x1F700] =	vst v63  }
0x115: {  	s8 =	sadd.s32 $0x4000, s30  }
0x116: {  	[tilespmem:s13], [sflag:$0x1] =	stream.linear.gather [spmem:s8], $0x1000, $0x38;
	[tilespmem:$0x1F700] =	vst v63  }
0x117: {  	_ =	swait.ge [sflag:s17], $0x1000  }
0x118: {  	[sflag:s17] =	ssyncset.done $0x0  }
0x119: {  	s0 =	simm.s32 @!p3 $0x6;
	[sflag:s17] =	ssyncadd.s32 $0xFFFFF000  }
0x11a: {  	_ =	swait.ge @!p3 [sflag:s0], $0x1000  }
0x11b: {  	[sflag:s0] =	ssyncset.done @!p3 $0x0  }
0x11c: {  	s8 =	simm.s32 $0x19780;
	[sflag:s0] =	ssyncadd.s32 @!p3 $0xFFFFF000  }
0x11d: {  	v0 =	vld [tilespmem:s8+$0x70]  }
0x11e: {  	v1 =	vld [tilespmem:s8+$0xFFFFFF90]  }
0x11f: {  	v2 =	vld [tilespmem:s8+$0xFFFFFFA0]  }
0x120: {  	v3 =	vld [tilespmem:s8+$0xFFFFFFB0]  }
0x121: {  	v4 =	vld [tilespmem:s8+$0xFFFFFFC0]  }
0x122: {  	v5 =	vld [tilespmem:s8+$0xFFFFFFD0]  }
0x123: {  	v6 =	vld [tilespmem:s8+$0xFFFFFFE0]  }
0x124: {  	v7 =	vld [tilespmem:s8+$0xFFFFFFF0]  }
0x125: {  	v8 =	vld [tilespmem:s8+$0x0]  }
0x126: {  	v9 =	vld [tilespmem:s8+$0x10]  }
0x127: {  	v10 =	vld [tilespmem:s8+$0x20]  }
0x128: {  	v11 =	vld [tilespmem:s8+$0x30]  }
0x129: {  	v12 =	vld [tilespmem:s8+$0x40]  }
0x12a: {  	v13 =	vld [tilespmem:s8+$0x50]  }
0x12b: {  	v14 =	vld [tilespmem:s8+$0x60]  }
0x12c: {  	v15 =	vld [tilespmem:s8+$0xFFFFFF80]  }
0x12d: {  	v0 =	vld.idx.msk [tilespmem:v0+s4+$0x0], $0xffff  }
0x12e: {  	v1 =	vld.idx.msk [tilespmem:v1+s4+$0x0], $0xffff  }
0x12f: {  	v2 =	vld.idx.msk [tilespmem:v2+s4+$0x0], $0xffff  }
0x130: {  	v3 =	vld.idx.msk [tilespmem:v3+s4+$0x0], $0xffff  }
0x131: {  	v4 =	vld.idx.msk [tilespmem:v4+s4+$0x0], $0xffff  }
0x132: {  	s31 =	simm.s32 $0x1D780;
	v5 =	vld.idx.msk [tilespmem:v5+s4+$0x0], $0xffff  }
0x133: {  	v6 =	vld.idx.msk [tilespmem:v6+s4+$0x0], $0xffff;
	[tilespmem:s31+$0x70] =	vst v0  }
0x134: {  	v7 =	vld.idx.msk [tilespmem:v7+s4+$0x0], $0xffff;
	[tilespmem:s31+$0xFFFFFF90] =	vst v1  }
0x135: {  	v15 =	vld.idx.msk [tilespmem:v15+s4+$0x0], $0xffff;
	[tilespmem:s31+$0xFFFFFFA0] =	vst v2  }
0x136: {  	v8 =	vld.idx.msk [tilespmem:v8+s4+$0x0], $0xffff;
	[tilespmem:s31+$0xFFFFFFB0] =	vst v3  }
0x137: {  	[tilespmem:s31+$0xFFFFFFC0] =	vst v4;
	v0 =	vld.idx.msk [tilespmem:v9+s4+$0x0], $0xffff  }
0x138: {  	[tilespmem:s31+$0xFFFFFFD0] =	vst v5;
	v1 =	vld.idx.msk [tilespmem:v10+s4+$0x0], $0xffff  }
0x139: {  	[tilespmem:s31+$0xFFFFFFE0] =	vst v6;
	v2 =	vld.idx.msk [tilespmem:v11+s4+$0x0], $0xffff  }
0x13a: {  	[tilespmem:s31+$0xFFFFFFF0] =	vst v7;
	v3 =	vld.idx.msk [tilespmem:v12+s4+$0x0], $0xffff  }
0x13b: {  	[tilespmem:s31+$0xFFFFFF80] =	vst v15;
	v4 =	vld.idx.msk [tilespmem:v13+s4+$0x0], $0xffff  }
0x13c: {  	s0 =	simm.s32 $0x0;
	s8 =	simm.s32 $0x19880;
	[tilespmem:s31+$0x0] =	vst v8;
	v5 =	vld.idx.msk [tilespmem:v14+s4+$0x0], $0xffff  }
.LBB2_10:
0x13d: {  	v6 =	vld [tilespmem:s8+$0x70];
	s0 =	sadd.s32 $0x100, s0;
	[tilespmem:s31+$0x10] =	vst v0  }
0x13e: {  	v0 =	vld [tilespmem:s8+$0xFFFFFF90];
	p3 =	slt.u32 s0, $0xF00;
	[tilespmem:s31+$0x20] =	vst v1  }
0x13f: {  	v1 =	vld [tilespmem:s8+$0xFFFFFFA0];
	[tilespmem:s31+$0x30] =	vst v2  }
0x140: {  	v2 =	vld [tilespmem:s8+$0xFFFFFFB0];
	[tilespmem:s31+$0x40] =	vst v3  }
0x141: {  	v3 =	vld [tilespmem:s8+$0xFFFFFFC0];
	[tilespmem:s31+$0x50] =	vst v4  }
0x142: {  	v4 =	vld [tilespmem:s8+$0xFFFFFFD0];
	[tilespmem:s31+$0x60] =	vst v5  }
0x143: {  	v5 =	vld [tilespmem:s8+$0xFFFFFFE0]  }
0x144: {  	v7 =	vld [tilespmem:s8+$0xFFFFFFF0]  }
0x145: {  	v6 =	vld.idx.msk [tilespmem:v6+s4+$0x0], $0xffff  }
0x146: {  	v8 =	vld [tilespmem:s8+$0x0]  }
0x147: {  	v9 =	vld [tilespmem:s8+$0x10]  }
0x148: {  	v10 =	vld [tilespmem:s8+$0x20]  }
0x149: {  	v11 =	vld [tilespmem:s8+$0x30]  }
0x14a: {  	s31 =	sadd.s32 $0x100, s31;
	v12 =	vld [tilespmem:s8+$0x40]  }
0x14b: {  	v13 =	vld [tilespmem:s8+$0x50];
	[tilespmem:s31+$0x70] =	vst v6  }
0x14c: {  	v6 =	vld [tilespmem:s8+$0x60]  }
0x14d: {  	v14 =	vld [tilespmem:s8+$0xFFFFFF80]  }
0x14e: {  	v0 =	vld.idx.msk [tilespmem:v0+s4+$0x0], $0xffff  }
0x14f: {  	v1 =	vld.idx.msk [tilespmem:v1+s4+$0x0], $0xffff  }
0x150: {  	v2 =	vld.idx.msk [tilespmem:v2+s4+$0x0], $0xffff  }
0x151: {  	v3 =	vld.idx.msk [tilespmem:v3+s4+$0x0], $0xffff  }
0x152: {  	v4 =	vld.idx.msk [tilespmem:v4+s4+$0x0], $0xffff  }
0x153: {  	v5 =	vld.idx.msk [tilespmem:v5+s4+$0x0], $0xffff  }
0x154: {  	[tilespmem:s31+$0xFFFFFF90] =	vst v0;
	v7 =	vld.idx.msk [tilespmem:v7+s4+$0x0], $0xffff  }
0x155: {  	v14 =	vld.idx.msk [tilespmem:v14+s4+$0x0], $0xffff;
	[tilespmem:s31+$0xFFFFFFA0] =	vst v1  }
0x156: {  	[tilespmem:s31+$0xFFFFFFB0] =	vst v2;
	v8 =	vld.idx.msk [tilespmem:v8+s4+$0x0], $0xffff  }
0x157: {  	[tilespmem:s31+$0xFFFFFFC0] =	vst v3;
	v0 =	vld.idx.msk [tilespmem:v9+s4+$0x0], $0xffff  }
.Ltmp3:
0x158: {  	[tilespmem:s31+$0xFFFFFFD0] =	vst v4;
	v1 =	vld.idx.msk [tilespmem:v10+s4+$0x0], $0xffff;
	(pc) =	sbr.rel @p3 .LBB2_10-.Ltmp3, $4  }
0x159: {  	[tilespmem:s31+$0xFFFFFFE0] =	vst v5;
	v2 =	vld.idx.msk [tilespmem:v11+s4+$0x0], $0xffff  }
0x15a: {  	[tilespmem:s31+$0xFFFFFFF0] =	vst v7;
	v3 =	vld.idx.msk [tilespmem:v12+s4+$0x0], $0xffff  }
0x15b: {  	[tilespmem:s31+$0xFFFFFF80] =	vst v14;
	v4 =	vld.idx.msk [tilespmem:v13+s4+$0x0], $0xffff  }
0x15c: {  	s8 =	sadd.s32 $0x100, s8;
	[tilespmem:s31+$0x0] =	vst v8;
	v5 =	vld.idx.msk [tilespmem:v6+s4+$0x0], $0xffff  }
0x15d: {  	[tilespmem:s31+$0x10] =	vst v0  }
0x15e: {  	[tilespmem:s31+$0x20] =	vst v1  }
0x15f: {  	[tilespmem:s31+$0x30] =	vst v2  }
0x160: {  	[tilespmem:s31+$0x40] =	vst v3  }
0x161: {  	s0 =	sor.u32 $0x18000, s29;
	[tilespmem:s31+$0x50] =	vst v4  }
0x162: {  	s0 =	sadd.s32 s2, s0;
	[tilespmem:s31+$0x60] =	vst v5  }
0x163: {  	[hbm4b:s0+s9] =	stream.strided.scatter [tilespmem:s20], [sflag:$0x6], $0x1000, s10, s9, $0x38;
	[tilespmem:$0x1F700] =	vst v63  }
0x164: {  	s8 =	sadd.s32 $0x5000, s30  }
0x165: {  	[tilespmem:s14], [sflag:$0x2] =	stream.linear.gather [spmem:s8], $0x1000, $0x38;
	[tilespmem:$0x1F700] =	vst v63  }
0x166: {  	_ =	swait.ge [sflag:s15], $0x1000  }
0x167: {  	[sflag:s15] =	ssyncset.done $0x0  }
0x168: {  	[sflag:s15] =	ssyncadd.s32 $0xFFFFF000  }
0x169: {  	_ =	swait.ge [sflag:s21], $0x1000  }
0x16a: {  	[sflag:s21] =	ssyncset.done $0x0  }
0x16b: {  	s8 =	simm.s32 $0x18780;
	[sflag:s21] =	ssyncadd.s32 $0xFFFFF000  }
0x16c: {  	v0 =	vld [tilespmem:s8+$0x70]  }
0x16d: {  	v1 =	vld [tilespmem:s8+$0xFFFFFF90]  }
0x16e: {  	v2 =	vld [tilespmem:s8+$0xFFFFFFA0]  }
0x16f: {  	v3 =	vld [tilespmem:s8+$0xFFFFFFB0]  }
0x170: {  	v4 =	vld [tilespmem:s8+$0xFFFFFFC0]  }
0x171: {  	v5 =	vld [tilespmem:s8+$0xFFFFFFD0]  }
0x172: {  	v6 =	vld [tilespmem:s8+$0xFFFFFFE0]  }
0x173: {  	v7 =	vld [tilespmem:s8+$0xFFFFFFF0]  }
0x174: {  	v8 =	vld [tilespmem:s8+$0x0]  }
0x175: {  	v9 =	vld [tilespmem:s8+$0x10]  }
0x176: {  	v10 =	vld [tilespmem:s8+$0x20]  }
0x177: {  	v11 =	vld [tilespmem:s8+$0x30]  }
0x178: {  	v12 =	vld [tilespmem:s8+$0x40]  }
0x179: {  	v13 =	vld [tilespmem:s8+$0x50]  }
0x17a: {  	v14 =	vld [tilespmem:s8+$0x60]  }
0x17b: {  	v15 =	vld [tilespmem:s8+$0xFFFFFF80]  }
0x17c: {  	v0 =	vld.idx.msk [tilespmem:v0+s4+$0x0], $0xffff  }
0x17d: {  	v1 =	vld.idx.msk [tilespmem:v1+s4+$0x0], $0xffff  }
0x17e: {  	v2 =	vld.idx.msk [tilespmem:v2+s4+$0x0], $0xffff  }
0x17f: {  	v3 =	vld.idx.msk [tilespmem:v3+s4+$0x0], $0xffff  }
0x180: {  	v4 =	vld.idx.msk [tilespmem:v4+s4+$0x0], $0xffff  }
0x181: {  	s31 =	simm.s32 $0x1A780;
	v5 =	vld.idx.msk [tilespmem:v5+s4+$0x0], $0xffff  }
0x182: {  	v6 =	vld.idx.msk [tilespmem:v6+s4+$0x0], $0xffff;
	[tilespmem:s31+$0x70] =	vst v0  }
0x183: {  	v7 =	vld.idx.msk [tilespmem:v7+s4+$0x0], $0xffff;
	[tilespmem:s31+$0xFFFFFF90] =	vst v1  }
0x184: {  	v15 =	vld.idx.msk [tilespmem:v15+s4+$0x0], $0xffff;
	[tilespmem:s31+$0xFFFFFFA0] =	vst v2  }
0x185: {  	v8 =	vld.idx.msk [tilespmem:v8+s4+$0x0], $0xffff;
	[tilespmem:s31+$0xFFFFFFB0] =	vst v3  }
0x186: {  	[tilespmem:s31+$0xFFFFFFC0] =	vst v4;
	v0 =	vld.idx.msk [tilespmem:v9+s4+$0x0], $0xffff  }
0x187: {  	[tilespmem:s31+$0xFFFFFFD0] =	vst v5;
	v1 =	vld.idx.msk [tilespmem:v10+s4+$0x0], $0xffff  }
0x188: {  	[tilespmem:s31+$0xFFFFFFE0] =	vst v6;
	v2 =	vld.idx.msk [tilespmem:v11+s4+$0x0], $0xffff  }
0x189: {  	[tilespmem:s31+$0xFFFFFFF0] =	vst v7;
	v3 =	vld.idx.msk [tilespmem:v12+s4+$0x0], $0xffff  }
0x18a: {  	[tilespmem:s31+$0xFFFFFF80] =	vst v15;
	v4 =	vld.idx.msk [tilespmem:v13+s4+$0x0], $0xffff  }
0x18b: {  	s0 =	simm.s32 $0x0;
	s8 =	simm.s32 $0x18880;
	[tilespmem:s31+$0x0] =	vst v8;
	v5 =	vld.idx.msk [tilespmem:v14+s4+$0x0], $0xffff  }
.LBB2_12:
0x18c: {  	v6 =	vld [tilespmem:s8+$0x70];
	s0 =	sadd.s32 $0x100, s0;
	[tilespmem:s31+$0x10] =	vst v0  }
0x18d: {  	v0 =	vld [tilespmem:s8+$0xFFFFFF90];
	p3 =	slt.u32 s0, $0xF00;
	[tilespmem:s31+$0x20] =	vst v1  }
0x18e: {  	v1 =	vld [tilespmem:s8+$0xFFFFFFA0];
	[tilespmem:s31+$0x30] =	vst v2  }
0x18f: {  	v2 =	vld [tilespmem:s8+$0xFFFFFFB0];
	[tilespmem:s31+$0x40] =	vst v3  }
0x190: {  	v3 =	vld [tilespmem:s8+$0xFFFFFFC0];
	[tilespmem:s31+$0x50] =	vst v4  }
0x191: {  	v4 =	vld [tilespmem:s8+$0xFFFFFFD0];
	[tilespmem:s31+$0x60] =	vst v5  }
0x192: {  	v5 =	vld [tilespmem:s8+$0xFFFFFFE0]  }
0x193: {  	v7 =	vld [tilespmem:s8+$0xFFFFFFF0]  }
0x194: {  	v6 =	vld.idx.msk [tilespmem:v6+s4+$0x0], $0xffff  }
0x195: {  	v8 =	vld [tilespmem:s8+$0x0]  }
0x196: {  	v9 =	vld [tilespmem:s8+$0x10]  }
0x197: {  	v10 =	vld [tilespmem:s8+$0x20]  }
0x198: {  	v11 =	vld [tilespmem:s8+$0x30]  }
0x199: {  	s31 =	sadd.s32 $0x100, s31;
	v12 =	vld [tilespmem:s8+$0x40]  }
0x19a: {  	v13 =	vld [tilespmem:s8+$0x50];
	[tilespmem:s31+$0x70] =	vst v6  }
0x19b: {  	v6 =	vld [tilespmem:s8+$0x60]  }
0x19c: {  	v14 =	vld [tilespmem:s8+$0xFFFFFF80]  }
0x19d: {  	v0 =	vld.idx.msk [tilespmem:v0+s4+$0x0], $0xffff  }
0x19e: {  	v1 =	vld.idx.msk [tilespmem:v1+s4+$0x0], $0xffff  }
0x19f: {  	v2 =	vld.idx.msk [tilespmem:v2+s4+$0x0], $0xffff  }
0x1a0: {  	v3 =	vld.idx.msk [tilespmem:v3+s4+$0x0], $0xffff  }
0x1a1: {  	v4 =	vld.idx.msk [tilespmem:v4+s4+$0x0], $0xffff  }
0x1a2: {  	v5 =	vld.idx.msk [tilespmem:v5+s4+$0x0], $0xffff  }
0x1a3: {  	[tilespmem:s31+$0xFFFFFF90] =	vst v0;
	v7 =	vld.idx.msk [tilespmem:v7+s4+$0x0], $0xffff  }
0x1a4: {  	v14 =	vld.idx.msk [tilespmem:v14+s4+$0x0], $0xffff;
	[tilespmem:s31+$0xFFFFFFA0] =	vst v1  }
0x1a5: {  	[tilespmem:s31+$0xFFFFFFB0] =	vst v2;
	v8 =	vld.idx.msk [tilespmem:v8+s4+$0x0], $0xffff  }
0x1a6: {  	[tilespmem:s31+$0xFFFFFFC0] =	vst v3;
	v0 =	vld.idx.msk [tilespmem:v9+s4+$0x0], $0xffff  }
.Ltmp4:
0x1a7: {  	[tilespmem:s31+$0xFFFFFFD0] =	vst v4;
	v1 =	vld.idx.msk [tilespmem:v10+s4+$0x0], $0xffff;
	(pc) =	sbr.rel @p3 .LBB2_12-.Ltmp4, $4  }
0x1a8: {  	[tilespmem:s31+$0xFFFFFFE0] =	vst v5;
	v2 =	vld.idx.msk [tilespmem:v11+s4+$0x0], $0xffff  }
0x1a9: {  	[tilespmem:s31+$0xFFFFFFF0] =	vst v7;
	v3 =	vld.idx.msk [tilespmem:v12+s4+$0x0], $0xffff  }
0x1aa: {  	[tilespmem:s31+$0xFFFFFF80] =	vst v14;
	v4 =	vld.idx.msk [tilespmem:v13+s4+$0x0], $0xffff  }
0x1ab: {  	s8 =	sadd.s32 $0x100, s8;
	[tilespmem:s31+$0x0] =	vst v8;
	v5 =	vld.idx.msk [tilespmem:v6+s4+$0x0], $0xffff  }
0x1ac: {  	[tilespmem:s31+$0x10] =	vst v0  }
0x1ad: {  	[tilespmem:s31+$0x20] =	vst v1  }
0x1ae: {  	[tilespmem:s31+$0x30] =	vst v2  }
0x1af: {  	[tilespmem:s31+$0x40] =	vst v3  }
0x1b0: {  	s0 =	sor.u32 $0x20000, s29;
	[tilespmem:s31+$0x50] =	vst v4  }
0x1b1: {  	s0 =	sadd.s32 s2, s0;
	[tilespmem:s31+$0x60] =	vst v5  }
0x1b2: {  	[hbm4b:s0+s9] =	stream.strided.scatter [tilespmem:s16], [sflag:$0x3], $0x1000, s10, s9, $0x38;
	[tilespmem:$0x1F700] =	vst v63  }
0x1b3: {  	s8 =	sadd.s32 $0x6000, s30  }
0x1b4: {  	[tilespmem:s13], [sflag:$0x1] =	stream.linear.gather [spmem:s8], $0x1000, $0x38;
	[tilespmem:$0x1F700] =	vst v63  }
0x1b5: {  	_ =	swait.ge [sflag:s17], $0x1000  }
0x1b6: {  	[sflag:s17] =	ssyncset.done $0x0  }
0x1b7: {  	[sflag:s17] =	ssyncadd.s32 $0xFFFFF000  }
0x1b8: {  	_ =	swait.ge [sflag:s22], $0x1000  }
0x1b9: {  	[sflag:s22] =	ssyncset.done $0x0  }
0x1ba: {  	s8 =	simm.s32 $0x19780;
	[sflag:s22] =	ssyncadd.s32 $0xFFFFF000  }
0x1bb: {  	v0 =	vld [tilespmem:s8+$0x70]  }
0x1bc: {  	v1 =	vld [tilespmem:s8+$0xFFFFFF90]  }
0x1bd: {  	v2 =	vld [tilespmem:s8+$0xFFFFFFA0]  }
0x1be: {  	v3 =	vld [tilespmem:s8+$0xFFFFFFB0]  }
0x1bf: {  	v4 =	vld [tilespmem:s8+$0xFFFFFFC0]  }
0x1c0: {  	v5 =	vld [tilespmem:s8+$0xFFFFFFD0]  }
0x1c1: {  	v6 =	vld [tilespmem:s8+$0xFFFFFFE0]  }
0x1c2: {  	v7 =	vld [tilespmem:s8+$0xFFFFFFF0]  }
0x1c3: {  	v8 =	vld [tilespmem:s8+$0x0]  }
0x1c4: {  	v9 =	vld [tilespmem:s8+$0x10]  }
0x1c5: {  	v10 =	vld [tilespmem:s8+$0x20]  }
0x1c6: {  	v11 =	vld [tilespmem:s8+$0x30]  }
0x1c7: {  	v12 =	vld [tilespmem:s8+$0x40]  }
0x1c8: {  	v13 =	vld [tilespmem:s8+$0x50]  }
0x1c9: {  	v14 =	vld [tilespmem:s8+$0x60]  }
0x1ca: {  	v15 =	vld [tilespmem:s8+$0xFFFFFF80]  }
0x1cb: {  	v0 =	vld.idx.msk [tilespmem:v0+s4+$0x0], $0xffff  }
0x1cc: {  	v1 =	vld.idx.msk [tilespmem:v1+s4+$0x0], $0xffff  }
0x1cd: {  	v2 =	vld.idx.msk [tilespmem:v2+s4+$0x0], $0xffff  }
0x1ce: {  	v3 =	vld.idx.msk [tilespmem:v3+s4+$0x0], $0xffff  }
0x1cf: {  	v4 =	vld.idx.msk [tilespmem:v4+s4+$0x0], $0xffff  }
0x1d0: {  	s31 =	simm.s32 $0x1B780;
	v5 =	vld.idx.msk [tilespmem:v5+s4+$0x0], $0xffff  }
0x1d1: {  	v6 =	vld.idx.msk [tilespmem:v6+s4+$0x0], $0xffff;
	[tilespmem:s31+$0x70] =	vst v0  }
0x1d2: {  	v7 =	vld.idx.msk [tilespmem:v7+s4+$0x0], $0xffff;
	[tilespmem:s31+$0xFFFFFF90] =	vst v1  }
0x1d3: {  	v15 =	vld.idx.msk [tilespmem:v15+s4+$0x0], $0xffff;
	[tilespmem:s31+$0xFFFFFFA0] =	vst v2  }
0x1d4: {  	v8 =	vld.idx.msk [tilespmem:v8+s4+$0x0], $0xffff;
	[tilespmem:s31+$0xFFFFFFB0] =	vst v3  }
0x1d5: {  	[tilespmem:s31+$0xFFFFFFC0] =	vst v4;
	v0 =	vld.idx.msk [tilespmem:v9+s4+$0x0], $0xffff  }
0x1d6: {  	[tilespmem:s31+$0xFFFFFFD0] =	vst v5;
	v1 =	vld.idx.msk [tilespmem:v10+s4+$0x0], $0xffff  }
0x1d7: {  	[tilespmem:s31+$0xFFFFFFE0] =	vst v6;
	v2 =	vld.idx.msk [tilespmem:v11+s4+$0x0], $0xffff  }
0x1d8: {  	[tilespmem:s31+$0xFFFFFFF0] =	vst v7;
	v3 =	vld.idx.msk [tilespmem:v12+s4+$0x0], $0xffff  }
0x1d9: {  	[tilespmem:s31+$0xFFFFFF80] =	vst v15;
	v4 =	vld.idx.msk [tilespmem:v13+s4+$0x0], $0xffff  }
0x1da: {  	s0 =	simm.s32 $0x0;
	s8 =	simm.s32 $0x19880;
	[tilespmem:s31+$0x0] =	vst v8;
	v5 =	vld.idx.msk [tilespmem:v14+s4+$0x0], $0xffff  }
.LBB2_14:
0x1db: {  	v6 =	vld [tilespmem:s8+$0x70];
	s0 =	sadd.s32 $0x100, s0;
	[tilespmem:s31+$0x10] =	vst v0  }
0x1dc: {  	v0 =	vld [tilespmem:s8+$0xFFFFFF90];
	p3 =	slt.u32 s0, $0xF00;
	[tilespmem:s31+$0x20] =	vst v1  }
0x1dd: {  	v1 =	vld [tilespmem:s8+$0xFFFFFFA0];
	[tilespmem:s31+$0x30] =	vst v2  }
0x1de: {  	v2 =	vld [tilespmem:s8+$0xFFFFFFB0];
	[tilespmem:s31+$0x40] =	vst v3  }
0x1df: {  	v3 =	vld [tilespmem:s8+$0xFFFFFFC0];
	[tilespmem:s31+$0x50] =	vst v4  }
0x1e0: {  	v4 =	vld [tilespmem:s8+$0xFFFFFFD0];
	[tilespmem:s31+$0x60] =	vst v5  }
0x1e1: {  	v5 =	vld [tilespmem:s8+$0xFFFFFFE0]  }
0x1e2: {  	v7 =	vld [tilespmem:s8+$0xFFFFFFF0]  }
0x1e3: {  	v6 =	vld.idx.msk [tilespmem:v6+s4+$0x0], $0xffff  }
0x1e4: {  	v8 =	vld [tilespmem:s8+$0x0]  }
0x1e5: {  	v9 =	vld [tilespmem:s8+$0x10]  }
0x1e6: {  	v10 =	vld [tilespmem:s8+$0x20]  }
0x1e7: {  	v11 =	vld [tilespmem:s8+$0x30]  }
0x1e8: {  	s31 =	sadd.s32 $0x100, s31;
	v12 =	vld [tilespmem:s8+$0x40]  }
0x1e9: {  	v13 =	vld [tilespmem:s8+$0x50];
	[tilespmem:s31+$0x70] =	vst v6  }
0x1ea: {  	v6 =	vld [tilespmem:s8+$0x60]  }
0x1eb: {  	v14 =	vld [tilespmem:s8+$0xFFFFFF80]  }
0x1ec: {  	v0 =	vld.idx.msk [tilespmem:v0+s4+$0x0], $0xffff  }
0x1ed: {  	v1 =	vld.idx.msk [tilespmem:v1+s4+$0x0], $0xffff  }
0x1ee: {  	v2 =	vld.idx.msk [tilespmem:v2+s4+$0x0], $0xffff  }
0x1ef: {  	v3 =	vld.idx.msk [tilespmem:v3+s4+$0x0], $0xffff  }
0x1f0: {  	v4 =	vld.idx.msk [tilespmem:v4+s4+$0x0], $0xffff  }
0x1f1: {  	v5 =	vld.idx.msk [tilespmem:v5+s4+$0x0], $0xffff  }
0x1f2: {  	[tilespmem:s31+$0xFFFFFF90] =	vst v0;
	v7 =	vld.idx.msk [tilespmem:v7+s4+$0x0], $0xffff  }
0x1f3: {  	v14 =	vld.idx.msk [tilespmem:v14+s4+$0x0], $0xffff;
	[tilespmem:s31+$0xFFFFFFA0] =	vst v1  }
0x1f4: {  	[tilespmem:s31+$0xFFFFFFB0] =	vst v2;
	v8 =	vld.idx.msk [tilespmem:v8+s4+$0x0], $0xffff  }
0x1f5: {  	[tilespmem:s31+$0xFFFFFFC0] =	vst v3;
	v0 =	vld.idx.msk [tilespmem:v9+s4+$0x0], $0xffff  }
.Ltmp5:
0x1f6: {  	[tilespmem:s31+$0xFFFFFFD0] =	vst v4;
	v1 =	vld.idx.msk [tilespmem:v10+s4+$0x0], $0xffff;
	(pc) =	sbr.rel @p3 .LBB2_14-.Ltmp5, $4  }
0x1f7: {  	[tilespmem:s31+$0xFFFFFFE0] =	vst v5;
	v2 =	vld.idx.msk [tilespmem:v11+s4+$0x0], $0xffff  }
0x1f8: {  	[tilespmem:s31+$0xFFFFFFF0] =	vst v7;
	v3 =	vld.idx.msk [tilespmem:v12+s4+$0x0], $0xffff  }
0x1f9: {  	[tilespmem:s31+$0xFFFFFF80] =	vst v14;
	v4 =	vld.idx.msk [tilespmem:v13+s4+$0x0], $0xffff  }
0x1fa: {  	s8 =	sadd.s32 $0x100, s8;
	[tilespmem:s31+$0x0] =	vst v8;
	v5 =	vld.idx.msk [tilespmem:v6+s4+$0x0], $0xffff  }
0x1fb: {  	[tilespmem:s31+$0x10] =	vst v0  }
0x1fc: {  	[tilespmem:s31+$0x20] =	vst v1  }
0x1fd: {  	[tilespmem:s31+$0x30] =	vst v2  }
0x1fe: {  	[tilespmem:s31+$0x40] =	vst v3  }
0x1ff: {  	s0 =	sor.u32 $0x28000, s29;
	[tilespmem:s31+$0x50] =	vst v4  }
0x200: {  	s0 =	sadd.s32 s2, s0;
	[tilespmem:s31+$0x60] =	vst v5  }
0x201: {  	[hbm4b:s0+s9] =	stream.strided.scatter [tilespmem:s18], [sflag:$0x4], $0x1000, s10, s9, $0x38;
	[tilespmem:$0x1F700] =	vst v63  }
0x202: {  	s8 =	sadd.s32 $0x7000, s30  }
0x203: {  	[tilespmem:s14], [sflag:$0x2] =	stream.linear.gather [spmem:s8], $0x1000, $0x38;
	[tilespmem:$0x1F700] =	vst v63  }
0x204: {  	_ =	swait.ge [sflag:s15], $0x1000  }
0x205: {  	[sflag:s15] =	ssyncset.done $0x0  }
0x206: {  	[sflag:s15] =	ssyncadd.s32 $0xFFFFF000  }
0x207: {  	_ =	swait.ge [sflag:s23], $0x1000  }
0x208: {  	[sflag:s23] =	ssyncset.done $0x0  }
0x209: {  	s31 =	simm.s32 $0x18780;
	[sflag:s23] =	ssyncadd.s32 $0xFFFFF000  }
0x20a: {  	v0 =	vld [tilespmem:s31+$0x70]  }
0x20b: {  	v1 =	vld [tilespmem:s31+$0xFFFFFF90]  }
0x20c: {  	v2 =	vld [tilespmem:s31+$0xFFFFFFA0]  }
0x20d: {  	v3 =	vld [tilespmem:s31+$0xFFFFFFB0]  }
0x20e: {  	v4 =	vld [tilespmem:s31+$0xFFFFFFC0]  }
0x20f: {  	v5 =	vld [tilespmem:s31+$0xFFFFFFD0]  }
0x210: {  	v6 =	vld [tilespmem:s31+$0xFFFFFFE0]  }
0x211: {  	v7 =	vld [tilespmem:s31+$0xFFFFFFF0]  }
0x212: {  	v8 =	vld [tilespmem:s31+$0x0]  }
0x213: {  	v9 =	vld [tilespmem:s31+$0x10]  }
0x214: {  	v10 =	vld [tilespmem:s31+$0x20]  }
0x215: {  	v11 =	vld [tilespmem:s31+$0x30]  }
0x216: {  	v12 =	vld [tilespmem:s31+$0x40]  }
0x217: {  	v13 =	vld [tilespmem:s31+$0x50]  }
0x218: {  	v14 =	vld [tilespmem:s31+$0x60]  }
0x219: {  	v15 =	vld [tilespmem:s31+$0xFFFFFF80]  }
0x21a: {  	v0 =	vld.idx.msk [tilespmem:v0+s4+$0x0], $0xffff  }
0x21b: {  	v1 =	vld.idx.msk [tilespmem:v1+s4+$0x0], $0xffff  }
0x21c: {  	v2 =	vld.idx.msk [tilespmem:v2+s4+$0x0], $0xffff  }
0x21d: {  	v3 =	vld.idx.msk [tilespmem:v3+s4+$0x0], $0xffff  }
0x21e: {  	v4 =	vld.idx.msk [tilespmem:v4+s4+$0x0], $0xffff  }
0x21f: {  	s30 =	simm.s32 $0x1C780;
	v5 =	vld.idx.msk [tilespmem:v5+s4+$0x0], $0xffff  }
0x220: {  	v6 =	vld.idx.msk [tilespmem:v6+s4+$0x0], $0xffff;
	[tilespmem:s30+$0x70] =	vst v0  }
0x221: {  	v7 =	vld.idx.msk [tilespmem:v7+s4+$0x0], $0xffff;
	[tilespmem:s30+$0xFFFFFF90] =	vst v1  }
0x222: {  	v15 =	vld.idx.msk [tilespmem:v15+s4+$0x0], $0xffff;
	[tilespmem:s30+$0xFFFFFFA0] =	vst v2  }
0x223: {  	v8 =	vld.idx.msk [tilespmem:v8+s4+$0x0], $0xffff;
	[tilespmem:s30+$0xFFFFFFB0] =	vst v3  }
0x224: {  	[tilespmem:s30+$0xFFFFFFC0] =	vst v4;
	v0 =	vld.idx.msk [tilespmem:v9+s4+$0x0], $0xffff  }
0x225: {  	[tilespmem:s30+$0xFFFFFFD0] =	vst v5;
	v1 =	vld.idx.msk [tilespmem:v10+s4+$0x0], $0xffff  }
0x226: {  	[tilespmem:s30+$0xFFFFFFE0] =	vst v6;
	v2 =	vld.idx.msk [tilespmem:v11+s4+$0x0], $0xffff  }
0x227: {  	[tilespmem:s30+$0xFFFFFFF0] =	vst v7;
	v3 =	vld.idx.msk [tilespmem:v12+s4+$0x0], $0xffff  }
0x228: {  	[tilespmem:s30+$0xFFFFFF80] =	vst v15;
	v4 =	vld.idx.msk [tilespmem:v13+s4+$0x0], $0xffff  }
0x229: {  	s0 =	simm.s32 $0x0;
	s8 =	simm.s32 $0x18880;
	[tilespmem:s30+$0x0] =	vst v8;
	v5 =	vld.idx.msk [tilespmem:v14+s4+$0x0], $0xffff  }
.LBB2_16:
0x22a: {  	v6 =	vld [tilespmem:s8+$0x70];
	s0 =	sadd.s32 $0x100, s0;
	[tilespmem:s30+$0x10] =	vst v0  }
0x22b: {  	v0 =	vld [tilespmem:s8+$0xFFFFFF90];
	p3 =	slt.u32 s0, $0xF00;
	[tilespmem:s30+$0x20] =	vst v1  }
0x22c: {  	v1 =	vld [tilespmem:s8+$0xFFFFFFA0];
	[tilespmem:s30+$0x30] =	vst v2  }
0x22d: {  	v2 =	vld [tilespmem:s8+$0xFFFFFFB0];
	[tilespmem:s30+$0x40] =	vst v3  }
0x22e: {  	v3 =	vld [tilespmem:s8+$0xFFFFFFC0];
	[tilespmem:s30+$0x50] =	vst v4  }
0x22f: {  	v4 =	vld [tilespmem:s8+$0xFFFFFFD0];
	[tilespmem:s30+$0x60] =	vst v5  }
0x230: {  	v5 =	vld [tilespmem:s8+$0xFFFFFFE0]  }
0x231: {  	v7 =	vld [tilespmem:s8+$0xFFFFFFF0]  }
0x232: {  	v6 =	vld.idx.msk [tilespmem:v6+s4+$0x0], $0xffff  }
0x233: {  	v8 =	vld [tilespmem:s8+$0x0]  }
0x234: {  	v9 =	vld [tilespmem:s8+$0x10]  }
0x235: {  	v10 =	vld [tilespmem:s8+$0x20]  }
0x236: {  	v11 =	vld [tilespmem:s8+$0x30]  }
0x237: {  	s30 =	sadd.s32 $0x100, s30;
	v12 =	vld [tilespmem:s8+$0x40]  }
0x238: {  	v13 =	vld [tilespmem:s8+$0x50];
	[tilespmem:s30+$0x70] =	vst v6  }
0x239: {  	v6 =	vld [tilespmem:s8+$0x60]  }
0x23a: {  	v14 =	vld [tilespmem:s8+$0xFFFFFF80]  }
0x23b: {  	v0 =	vld.idx.msk [tilespmem:v0+s4+$0x0], $0xffff  }
0x23c: {  	v1 =	vld.idx.msk [tilespmem:v1+s4+$0x0], $0xffff  }
0x23d: {  	v2 =	vld.idx.msk [tilespmem:v2+s4+$0x0], $0xffff  }
0x23e: {  	v3 =	vld.idx.msk [tilespmem:v3+s4+$0x0], $0xffff  }
0x23f: {  	v4 =	vld.idx.msk [tilespmem:v4+s4+$0x0], $0xffff  }
0x240: {  	v5 =	vld.idx.msk [tilespmem:v5+s4+$0x0], $0xffff  }
0x241: {  	[tilespmem:s30+$0xFFFFFF90] =	vst v0;
	v7 =	vld.idx.msk [tilespmem:v7+s4+$0x0], $0xffff  }
0x242: {  	v14 =	vld.idx.msk [tilespmem:v14+s4+$0x0], $0xffff;
	[tilespmem:s30+$0xFFFFFFA0] =	vst v1  }
0x243: {  	[tilespmem:s30+$0xFFFFFFB0] =	vst v2;
	v8 =	vld.idx.msk [tilespmem:v8+s4+$0x0], $0xffff  }
0x244: {  	[tilespmem:s30+$0xFFFFFFC0] =	vst v3;
	v0 =	vld.idx.msk [tilespmem:v9+s4+$0x0], $0xffff  }
.Ltmp6:
0x245: {  	[tilespmem:s30+$0xFFFFFFD0] =	vst v4;
	v1 =	vld.idx.msk [tilespmem:v10+s4+$0x0], $0xffff;
	(pc) =	sbr.rel @p3 .LBB2_16-.Ltmp6, $4  }
0x246: {  	[tilespmem:s30+$0xFFFFFFE0] =	vst v5;
	v2 =	vld.idx.msk [tilespmem:v11+s4+$0x0], $0xffff  }
0x247: {  	[tilespmem:s30+$0xFFFFFFF0] =	vst v7;
	v3 =	vld.idx.msk [tilespmem:v12+s4+$0x0], $0xffff  }
0x248: {  	[tilespmem:s30+$0xFFFFFF80] =	vst v14;
	v4 =	vld.idx.msk [tilespmem:v13+s4+$0x0], $0xffff  }
0x249: {  	s8 =	sadd.s32 $0x100, s8;
	[tilespmem:s30+$0x0] =	vst v8;
	v5 =	vld.idx.msk [tilespmem:v6+s4+$0x0], $0xffff  }
0x24a: {  	[tilespmem:s30+$0x10] =	vst v0  }
0x24b: {  	[tilespmem:s30+$0x20] =	vst v1  }
0x24c: {  	[tilespmem:s30+$0x30] =	vst v2  }
0x24d: {  	[tilespmem:s30+$0x40] =	vst v3  }
0x24e: {  	s0 =	sor.u32 $0x30000, s29;
	[tilespmem:s30+$0x50] =	vst v4  }
0x24f: {  	s0 =	sadd.s32 s2, s0;
	[tilespmem:s30+$0x60] =	vst v5  }
0x250: {  	[hbm4b:s0+s9] =	stream.strided.scatter [tilespmem:s19], [sflag:$0x5], $0x1000, s10, s9, $0x38;
	[tilespmem:$0x1F700] =	vst v63  }
0x251: {  	_ =	swait.ge [sflag:s17], $0x1000  }
0x252: {  	[sflag:s17] =	ssyncset.done $0x0  }
0x253: {  	[sflag:s17] =	ssyncadd.s32 $0xFFFFF000  }
0x254: {  	_ =	swait.ge [sflag:s24], $0x1000  }
0x255: {  	[sflag:s24] =	ssyncset.done $0x0  }
0x256: {  	s31 =	simm.s32 $0x19780;
	[sflag:s24] =	ssyncadd.s32 $0xFFFFF000  }
0x257: {  	v0 =	vld [tilespmem:s31+$0x70]  }
0x258: {  	v1 =	vld [tilespmem:s31+$0xFFFFFF90]  }
0x259: {  	v2 =	vld [tilespmem:s31+$0xFFFFFFA0]  }
0x25a: {  	v3 =	vld [tilespmem:s31+$0xFFFFFFB0]  }
0x25b: {  	v4 =	vld [tilespmem:s31+$0xFFFFFFC0]  }
0x25c: {  	v5 =	vld [tilespmem:s31+$0xFFFFFFD0]  }
0x25d: {  	v6 =	vld [tilespmem:s31+$0xFFFFFFE0]  }
0x25e: {  	v7 =	vld [tilespmem:s31+$0xFFFFFFF0]  }
0x25f: {  	v8 =	vld [tilespmem:s31+$0x0]  }
0x260: {  	v9 =	vld [tilespmem:s31+$0x10]  }
0x261: {  	v10 =	vld [tilespmem:s31+$0x20]  }
0x262: {  	v11 =	vld [tilespmem:s31+$0x30]  }
0x263: {  	v12 =	vld [tilespmem:s31+$0x40]  }
0x264: {  	v13 =	vld [tilespmem:s31+$0x50]  }
0x265: {  	v14 =	vld [tilespmem:s31+$0x60]  }
0x266: {  	v15 =	vld [tilespmem:s31+$0xFFFFFF80]  }
0x267: {  	v0 =	vld.idx.msk [tilespmem:v0+s4+$0x0], $0xffff  }
0x268: {  	v1 =	vld.idx.msk [tilespmem:v1+s4+$0x0], $0xffff  }
0x269: {  	v2 =	vld.idx.msk [tilespmem:v2+s4+$0x0], $0xffff  }
0x26a: {  	v3 =	vld.idx.msk [tilespmem:v3+s4+$0x0], $0xffff  }
0x26b: {  	v4 =	vld.idx.msk [tilespmem:v4+s4+$0x0], $0xffff  }
0x26c: {  	s30 =	simm.s32 $0x1D780;
	v5 =	vld.idx.msk [tilespmem:v5+s4+$0x0], $0xffff  }
0x26d: {  	v6 =	vld.idx.msk [tilespmem:v6+s4+$0x0], $0xffff;
	[tilespmem:s30+$0x70] =	vst v0  }
0x26e: {  	v7 =	vld.idx.msk [tilespmem:v7+s4+$0x0], $0xffff;
	[tilespmem:s30+$0xFFFFFF90] =	vst v1  }
0x26f: {  	v15 =	vld.idx.msk [tilespmem:v15+s4+$0x0], $0xffff;
	[tilespmem:s30+$0xFFFFFFA0] =	vst v2  }
0x270: {  	v8 =	vld.idx.msk [tilespmem:v8+s4+$0x0], $0xffff;
	[tilespmem:s30+$0xFFFFFFB0] =	vst v3  }
0x271: {  	[tilespmem:s30+$0xFFFFFFC0] =	vst v4;
	v0 =	vld.idx.msk [tilespmem:v9+s4+$0x0], $0xffff  }
0x272: {  	[tilespmem:s30+$0xFFFFFFD0] =	vst v5;
	v1 =	vld.idx.msk [tilespmem:v10+s4+$0x0], $0xffff  }
0x273: {  	[tilespmem:s30+$0xFFFFFFE0] =	vst v6;
	v2 =	vld.idx.msk [tilespmem:v11+s4+$0x0], $0xffff  }
0x274: {  	[tilespmem:s30+$0xFFFFFFF0] =	vst v7;
	v3 =	vld.idx.msk [tilespmem:v12+s4+$0x0], $0xffff  }
0x275: {  	[tilespmem:s30+$0xFFFFFF80] =	vst v15;
	v4 =	vld.idx.msk [tilespmem:v13+s4+$0x0], $0xffff  }
0x276: {  	s8 =	simm.s32 $0x19880;
	s0 =	simm.s32 $0x0;
	[tilespmem:s30+$0x0] =	vst v8;
	v5 =	vld.idx.msk [tilespmem:v14+s4+$0x0], $0xffff  }
.LBB2_18:
0x277: {  	v6 =	vld [tilespmem:s8+$0x70];
	s0 =	sadd.s32 $0x100, s0;
	[tilespmem:s30+$0x10] =	vst v0  }
0x278: {  	v0 =	vld [tilespmem:s8+$0xFFFFFF90];
	p3 =	slt.u32 s0, $0xF00;
	[tilespmem:s30+$0x20] =	vst v1  }
0x279: {  	v1 =	vld [tilespmem:s8+$0xFFFFFFA0];
	[tilespmem:s30+$0x30] =	vst v2  }
0x27a: {  	v2 =	vld [tilespmem:s8+$0xFFFFFFB0];
	[tilespmem:s30+$0x40] =	vst v3  }
0x27b: {  	v3 =	vld [tilespmem:s8+$0xFFFFFFC0];
	[tilespmem:s30+$0x50] =	vst v4  }
0x27c: {  	v4 =	vld [tilespmem:s8+$0xFFFFFFD0];
	[tilespmem:s30+$0x60] =	vst v5  }
0x27d: {  	v5 =	vld [tilespmem:s8+$0xFFFFFFE0]  }
0x27e: {  	v7 =	vld [tilespmem:s8+$0xFFFFFFF0]  }
0x27f: {  	v6 =	vld.idx.msk [tilespmem:v6+s4+$0x0], $0xffff  }
0x280: {  	v8 =	vld [tilespmem:s8+$0x0]  }
0x281: {  	v9 =	vld [tilespmem:s8+$0x10]  }
0x282: {  	v10 =	vld [tilespmem:s8+$0x20]  }
0x283: {  	v11 =	vld [tilespmem:s8+$0x30]  }
0x284: {  	s30 =	sadd.s32 $0x100, s30;
	v12 =	vld [tilespmem:s8+$0x40]  }
0x285: {  	v13 =	vld [tilespmem:s8+$0x50];
	[tilespmem:s30+$0x70] =	vst v6  }
0x286: {  	v6 =	vld [tilespmem:s8+$0x60]  }
0x287: {  	v14 =	vld [tilespmem:s8+$0xFFFFFF80]  }
0x288: {  	v0 =	vld.idx.msk [tilespmem:v0+s4+$0x0], $0xffff  }
0x289: {  	v1 =	vld.idx.msk [tilespmem:v1+s4+$0x0], $0xffff  }
0x28a: {  	v2 =	vld.idx.msk [tilespmem:v2+s4+$0x0], $0xffff  }
0x28b: {  	v3 =	vld.idx.msk [tilespmem:v3+s4+$0x0], $0xffff  }
0x28c: {  	v4 =	vld.idx.msk [tilespmem:v4+s4+$0x0], $0xffff  }
0x28d: {  	v5 =	vld.idx.msk [tilespmem:v5+s4+$0x0], $0xffff  }
0x28e: {  	[tilespmem:s30+$0xFFFFFF90] =	vst v0;
	v7 =	vld.idx.msk [tilespmem:v7+s4+$0x0], $0xffff  }
0x28f: {  	v14 =	vld.idx.msk [tilespmem:v14+s4+$0x0], $0xffff;
	[tilespmem:s30+$0xFFFFFFA0] =	vst v1  }
0x290: {  	[tilespmem:s30+$0xFFFFFFB0] =	vst v2;
	v8 =	vld.idx.msk [tilespmem:v8+s4+$0x0], $0xffff  }
0x291: {  	[tilespmem:s30+$0xFFFFFFC0] =	vst v3;
	v0 =	vld.idx.msk [tilespmem:v9+s4+$0x0], $0xffff  }
.Ltmp7:
0x292: {  	[tilespmem:s30+$0xFFFFFFD0] =	vst v4;
	v1 =	vld.idx.msk [tilespmem:v10+s4+$0x0], $0xffff;
	(pc) =	sbr.rel @p3 .LBB2_18-.Ltmp7, $4  }
0x293: {  	[tilespmem:s30+$0xFFFFFFE0] =	vst v5;
	v2 =	vld.idx.msk [tilespmem:v11+s4+$0x0], $0xffff  }
0x294: {  	[tilespmem:s30+$0xFFFFFFF0] =	vst v7;
	v3 =	vld.idx.msk [tilespmem:v12+s4+$0x0], $0xffff  }
0x295: {  	[tilespmem:s30+$0xFFFFFF80] =	vst v14;
	v4 =	vld.idx.msk [tilespmem:v13+s4+$0x0], $0xffff  }
0x296: {  	s8 =	sadd.s32 $0x100, s8;
	[tilespmem:s30+$0x0] =	vst v8;
	v5 =	vld.idx.msk [tilespmem:v6+s4+$0x0], $0xffff  }
0x297: {  	[tilespmem:s30+$0x10] =	vst v0  }
0x298: {  	[tilespmem:s30+$0x20] =	vst v1;
	p3 =	slt.u32 s28, $0x19  }
.Ltmp8:
0x299: {  	[tilespmem:s30+$0x30] =	vst v2;
	(pc) =	sbr.rel @p3 .LBB2_3-.Ltmp8, $4  }
0x29a: {  	[tilespmem:s30+$0x40] =	vst v3  }
0x29b: {  	s0 =	sor.u32 $0x38000, s29;
	[tilespmem:s30+$0x50] =	vst v4  }
0x29c: {  	s29 =	smov.u32 s28;
	s0 =	sadd.s32 s2, s0;
	[tilespmem:s30+$0x60] =	vst v5  }
0x29d: {  	[hbm4b:s0+s9] =	stream.strided.scatter [tilespmem:s20], [sflag:$0x6], $0x1000, s10, s9, $0x38;
	[tilespmem:$0x1F700] =	vst v63  }
0x29e: {  	_ =	swait.ge [sflag:s21], $0x1000  }
0x29f: {  	[sflag:s21] =	ssyncset.done $0x0  }
0x2a0: {  	[sflag:s21] =	ssyncadd.s32 $0xFFFFF000  }
0x2a1: {  	_ =	swait.ge [sflag:s22], $0x1000  }
0x2a2: {  	[sflag:s22] =	ssyncset.done $0x0  }
0x2a3: {  	[sflag:s22] =	ssyncadd.s32 $0xFFFFF000  }
0x2a4: {  	_ =	swait.ge [sflag:s23], $0x1000  }
0x2a5: {  	[sflag:s23] =	ssyncset.done $0x0  }
0x2a6: {  	[sflag:s23] =	ssyncadd.s32 $0xFFFFF000  }
.Ltmp9:
0x2a7: {  	_ =	swait.ge [sflag:s24], $0x1000;
	(pc) =	sbr.rel @p2 .LBB2_2-.Ltmp9, $4  }
0x2a8: {  	[sflag:s24] =	ssyncset.done $0x0  }
0x2a9: {  	[sflag:s24] =	ssyncadd.s32 $0xFFFFF000  }
0x2aa: {  	[bflag:$0x0] =	sbarrier.arrive $0xFFFF  }
0x2ab: {  	s0 =	simm.s32 $0x20;
	p3 =	por $0x0, $0x0  }
0x2ac: {  	s25 =	sadd.s32 $0x1, s25;
	s0 =	rddreg [dreg:$0x5]  }
0x2ad: {  	p2 =	sne.s32 s25, s0  }
.Ltmp10:
0x2ae: {  	_ = 	snop;
	(pc) =	sbr.rel @p2 .LBB2_1-.Ltmp10, $1  }
0x2af: {  	_ =	sdelay $0x3  }
0x2b0: {  	_ =	sfence.sel $0x180000  }
0x2b1: {  	[bflag:$0x0] =	sbarrier.arrive $0xFFFF  }
0x2b2: {  	_ =	strace $0x90000047  }
0x2b3: {  	[bflag:$0x2] =	sbarrier.arrive $0xFFFF  }
0x2b4: {  	s0 =	rddreg [dreg:$0x4]  }
0x2b5: {  	s0 =	sadd.s32 @!p0 $0x100000, s0  }
0x2b6: {  	[sflag:s0] =	ssyncadd.tile.s32 @!p0 $0x1;
	_ =	shalt  }
.Lfunc_end2:
_tile_overlayer_lowered:
.L_overlay_start_2:
0x2b7: {  	(tag) =	ssettag $0x2  }
0x2b8: {  	s0 =	rddreg [dreg:$0x0];
	s2 =	stileid.u32  }
0x2b9: {  	s1 =	rddreg [dreg:$0x1];
	p0 =	sne.s32 s2, $0x0  }
0x2ba: {  	s3 =	rddreg [dreg:$0x2];
	[bflag:$0x3] =	sbarrier.arrive $0xFFFF;
	s2 =	simm.s32 @!p0 $0x1C08  }
0x2bb: {  	[timem:s3], [sflag:s2] =	dma.local @!p0 [hbm:s0], s1  }
0x2bc: {  	s0 =	simm.s32 @!p0 $0x8  }
0x2bd: {  	_ =	swait.ge @!p0 [sflag:s0], s1  }
0x2be: {  	s1 =	ssub.s32 @!p0 $0x0, s1;
	[sflag:s0] =	ssyncset.done @!p0 $0x0  }
0x2bf: {  	[sflag:s0] =	ssyncadd.s32 @!p0 s1  }
0x2c0: {  	[bflag:$0x3] =	sbarrier.arrive $0xFFFF  }
0x2c1: {  	_ =	shalt  }

</sc_bundles>
